<compile_context>
chip_gen: v7x
topology: tpu7x:2x2x1
jax: 0.10.2.dev20260603
libtpu: 0.0.44.dev20260713+nightly
codegen_flags: <defaults>
</compile_context>

<pallas_src>
import functools

import jax
import jax.numpy as jnp
from jax import lax
from jax.experimental import pallas as pl
from jax.experimental.pallas import tpu as pltpu
from jax.experimental.pallas import tpu_sc as plsc

DIM = 128
NC = 2
NS = 16
NW = NC * NS
CHUNK = 128

NBUF = 7
LOOKAHEAD = 6


def _gather_rope(idx, cos_cached, sin_cached, n_total):
    n_chunks = n_total // (NW * CHUNK)
    n_steps = 2 * n_chunks
    mesh = plsc.VectorSubcoreMesh(core_axis_name="c", subcore_axis_name="s")

    @functools.partial(
        pl.kernel,
        mesh=mesh,
        out_type=(
            jax.ShapeDtypeStruct((n_total, DIM), jnp.float32),
            jax.ShapeDtypeStruct((n_total, DIM), jnp.float32),
        ),
        scratch_types=[
            pltpu.VMEM((n_chunks * CHUNK,), jnp.int32),
            pltpu.VMEM((NBUF, CHUNK, DIM), jnp.float32),
            *([pltpu.SemaphoreType.DMA] * NBUF),
            *([pltpu.SemaphoreType.DMA] * NBUF),
        ],
    )
    def k(cos_hbm, sin_hbm, idx_hbm, cos_out, sin_out, idx_v, bufs, *sems):
        gsem, ssem = sems[:NBUF], sems[NBUF:]
        wid = lax.axis_index("s") * NC + lax.axis_index("c")
        base = wid * (n_chunks * CHUNK)
        pltpu.sync_copy(idx_hbm.at[pl.ds(base, n_chunks * CHUNK)], idx_v)

        def src(step):
            tab = cos_hbm if step < n_chunks else sin_hbm
            return tab.at[idx_v.at[pl.ds((step % n_chunks) * CHUNK, CHUNK)]]

        def dst(step):
            out = cos_out if step < n_chunks else sin_out
            return out.at[pl.ds(base + (step % n_chunks) * CHUNK, CHUNK)]

        stores = [None] * n_steps
        gathers = [None] * n_steps
        for t in range(LOOKAHEAD):
            gathers[t] = pltpu.async_copy(src(t), bufs.at[t % NBUF], gsem[t % NBUF])
        for s in range(n_steps):
            b = s % NBUF
            gathers[s].wait()
            stores[s] = pltpu.async_copy(bufs.at[b], dst(s), ssem[b])
            t = s + LOOKAHEAD
            if t < n_steps:
                bt = t % NBUF
                if t >= NBUF:
                    stores[t - NBUF].wait()
                gathers[t] = pltpu.async_copy(src(t), bufs.at[bt], gsem[bt])
        for s in range(n_steps - NBUF, n_steps):
            stores[s].wait()

    return k(cos_cached, sin_cached, idx)


def kernel(x, position_ids, cos_cached, sin_cached):
    b, s = position_ids.shape
    n_total = b * s
    idx = position_ids.astype(jnp.int32).reshape(n_total)
    cos_flat, sin_flat = _gather_rope(idx, cos_cached, sin_cached, n_total)
    cos = cos_flat.reshape(b, 1, s, DIM)
    sin = sin_flat.reshape(b, 1, s, DIM)
    return (cos, sin)

# --- scband reference (transcript-rebuilt; emitter-appended) ---
"""Pipeline reference for scband-ro-peembedding-59081570125084 (READ-ONLY COPY).

The authoritative reference and input builder live on the scoring server;
editing this copy changes nothing except your own understanding.
"""

import jax, jax.numpy as jnp
import numpy as np

DIM = 128
MAX_POS = 8192


def setup_inputs(seed: int = 0) -> dict:
    key = jax.random.key(seed)
    k1, k2 = jax.random.split(key)
    x = jax.random.normal(k1, (4, 32, 4096, DIM), dtype=jnp.float32)
    position_ids = jax.random.randint(k2, (4, 4096), 0, MAX_POS, dtype=jnp.int64 if jax.config.jax_enable_x64 else jnp.int32)
    inv_freq = 1.0 / (10000.0 ** (jnp.arange(0, DIM, 2, dtype=jnp.float32) / DIM))
    position = jnp.arange(MAX_POS, dtype=jnp.float32)
    freqs = jnp.einsum('i,j->ij', position, inv_freq)
    emb = jnp.concatenate((freqs, freqs), axis=-1)
    cos_cached = jnp.cos(emb)
    sin_cached = jnp.sin(emb)
    return {"x": x, "position_ids": position_ids, "cos_cached": cos_cached, "sin_cached": sin_cached}


def reference(x, position_ids, cos_cached, sin_cached):
    # gather rows of the cached cos/sin tables by position id, then add head axis
    cos = jnp.take(cos_cached, position_ids, axis=0)[:, None, :, :]
    sin = jnp.take(sin_cached, position_ids, axis=0)[:, None, :, :]
    return (cos, sin)

if __name__ == "__main__":
    import jax
    _d = setup_inputs()
    print(jax.jit(kernel)(*tuple(_d.values())))

</pallas_src>

<mosaic_0001>
#map = affine_map<(d0, d1) -> (0, 0)>
#map1 = affine_map<(d0, d1) -> (0)>
module attributes {stable_mosaic.version = 14 : i64} {
  func.func @k(%arg0: i32, %arg1: i32, %arg2: memref<8192x128xf32, #tpu.memory_space<hbm>>, %arg3: memref<8192x128xf32, #tpu.memory_space<hbm>>, %arg4: memref<16384xi32, #tpu.memory_space<hbm>>, %arg5: memref<16384x128xf32, #tpu.memory_space<hbm>>, %arg6: memref<16384x128xf32, #tpu.memory_space<hbm>>, %arg7: memref<512xi32, #tpu.memory_space<vmem>>, %arg8: memref<7x128x128xf32, #tpu.memory_space<vmem>>, %arg9: memref<!tpu.dma_semaphore, #tpu.memory_space<semaphore_mem>>, %arg10: memref<!tpu.dma_semaphore, #tpu.memory_space<semaphore_mem>>, %arg11: memref<!tpu.dma_semaphore, #tpu.memory_space<semaphore_mem>>, %arg12: memref<!tpu.dma_semaphore, #tpu.memory_space<semaphore_mem>>, %arg13: memref<!tpu.dma_semaphore, #tpu.memory_space<semaphore_mem>>, %arg14: memref<!tpu.dma_semaphore, #tpu.memory_space<semaphore_mem>>, %arg15: memref<!tpu.dma_semaphore, #tpu.memory_space<semaphore_mem>>, %arg16: memref<!tpu.dma_semaphore, #tpu.memory_space<semaphore_mem>>, %arg17: memref<!tpu.dma_semaphore, #tpu.memory_space<semaphore_mem>>, %arg18: memref<!tpu.dma_semaphore, #tpu.memory_space<semaphore_mem>>, %arg19: memref<!tpu.dma_semaphore, #tpu.memory_space<semaphore_mem>>, %arg20: memref<!tpu.dma_semaphore, #tpu.memory_space<semaphore_mem>>, %arg21: memref<!tpu.dma_semaphore, #tpu.memory_space<semaphore_mem>>, %arg22: memref<!tpu.dma_semaphore, #tpu.memory_space<semaphore_mem>>) attributes {dimension_semantics = [#tpu.dimension_semantics<core_parallel>, #tpu.dimension_semantics<subcore_parallel>], iteration_bounds = array<i64: 2, 16>, scalar_prefetch = 0 : i64, scratch_operands = 16 : i64, tpu.core_type = #tpu.core_type<sc_vector_subcore>, window_params = [{transform_indices = #map}, {transform_indices = #map}, {transform_indices = #map1}, {transform_indices = #map}, {transform_indices = #map}]} {
    %mul3A = arith.constant 2 : i32
    %mul3A_0 = arith.muli %arg1, %mul3A : i32
    %add3A = arith.addi %mul3A_0, %arg0 : i32
    %mul3A_1 = arith.constant 512 : i32
    %mul3A_2 = arith.muli %add3A, %mul3A_1 : i32
    "tpu.region"() ({
      %run_scoped3A = tpu.sem_alloc : memref<!tpu.dma_semaphore, #tpu.memory_space<semaphore_mem>>
      %dma_start3A_385 = tpu.memref_slice %arg4[%mul3A_2] : memref<16384xi32, #tpu.memory_space<hbm>> -> memref<512xi32, #tpu.memory_space<hbm>>
      %dma_start3A_386 = tpu.memref_slice %arg4[%mul3A_2] : memref<16384xi32, #tpu.memory_space<hbm>> -> memref<512xi32, #tpu.memory_space<hbm>>
      tpu.enqueue_dma source(%dma_start3A_386 : memref<512xi32, #tpu.memory_space<hbm>>) target(%arg7 : memref<512xi32, #tpu.memory_space<vmem>>) target_semaphore(%run_scoped3A : memref<!tpu.dma_semaphore, #tpu.memory_space<semaphore_mem>>)
      %dma_wait3A_387 = tpu.memref_slice %arg4[%mul3A_2] : memref<16384xi32, #tpu.memory_space<hbm>> -> memref<512xi32, #tpu.memory_space<hbm>>
      %dma_wait3A_388 = tpu.memref_slice %arg4[%mul3A_2] : memref<16384xi32, #tpu.memory_space<hbm>> -> memref<512xi32, #tpu.memory_space<hbm>>
      tpu.wait_dma2 semaphore(%run_scoped3A : memref<!tpu.dma_semaphore, #tpu.memory_space<semaphore_mem>>) src(%dma_wait3A_388 : memref<512xi32, #tpu.memory_space<hbm>>) dst(%arg7 : memref<512xi32, #tpu.memory_space<vmem>>)
      tpu.yield
    }) : () -> ()
    %dma_start3A = arith.constant 0 : i32
    %dma_start3A_3 = arith.constant 0 : i32
    %dma_start3A_4 = arith.constant 0 : i32
    %dma_start3A_5 = tpu.memref_slice %arg8[%dma_start3A, %dma_start3A_3, %dma_start3A_4] : memref<7x128x128xf32, #tpu.memory_space<vmem>> -> memref<1x128x128xf32, #tpu.memory_space<vmem>>
    %dma_start3A_6 = tpu.memref_squeeze %dma_start3A_5 : memref<1x128x128xf32, #tpu.memory_space<vmem>> -> memref<128x128xf32, #tpu.memory_space<vmem>>
    %dma_start3A_7 = arith.constant 0 : i32
    %dma_start3A_8 = tpu.memref_slice %arg7[%dma_start3A_7] : memref<512xi32, #tpu.memory_space<vmem>> -> memref<128xi32, #tpu.memory_space<vmem>>
    %dma_start3A_9 = arith.constant 0 : i32
    %dma_start3A_10 = arith.constant 0 : i32
    %dma_start3A_11 = tpu.memref_slice %arg2[%dma_start3A_9, %dma_start3A_10] : memref<8192x128xf32, #tpu.memory_space<hbm>> -> memref<8192x128xf32, #tpu.memory_space<hbm>>
    tpu.enqueue_indirect_dma source(%dma_start3A_11 : memref<8192x128xf32, #tpu.memory_space<hbm>>) target(%dma_start3A_6 : memref<128x128xf32, #tpu.memory_space<vmem>>) offsets(%dma_start3A_8 : memref<128xi32, #tpu.memory_space<vmem>>) semaphore(%arg9 : memref<!tpu.dma_semaphore, #tpu.memory_space<semaphore_mem>>)
    %dma_start3A_12 = arith.constant 1 : i32
    %dma_start3A_13 = arith.constant 0 : i32
    %dma_start3A_14 = arith.constant 0 : i32
    %dma_start3A_15 = tpu.memref_slice %arg8[%dma_start3A_12, %dma_start3A_13, %dma_start3A_14] : memref<7x128x128xf32, #tpu.memory_space<vmem>> -> memref<1x128x128xf32, #tpu.memory_space<vmem>>
    %dma_start3A_16 = tpu.memref_squeeze %dma_start3A_15 : memref<1x128x128xf32, #tpu.memory_space<vmem>> -> memref<128x128xf32, #tpu.memory_space<vmem>>
    %dma_start3A_17 = arith.constant 128 : i32
    %dma_start3A_18 = tpu.memref_slice %arg7[%dma_start3A_17] : memref<512xi32, #tpu.memory_space<vmem>> -> memref<128xi32, #tpu.memory_space<vmem>>
    %dma_start3A_19 = arith.constant 0 : i32
    %dma_start3A_20 = arith.constant 0 : i32
    %dma_start3A_21 = tpu.memref_slice %arg2[%dma_start3A_19, %dma_start3A_20] : memref<8192x128xf32, #tpu.memory_space<hbm>> -> memref<8192x128xf32, #tpu.memory_space<hbm>>
    tpu.enqueue_indirect_dma source(%dma_start3A_21 : memref<8192x128xf32, #tpu.memory_space<hbm>>) target(%dma_start3A_16 : memref<128x128xf32, #tpu.memory_space<vmem>>) offsets(%dma_start3A_18 : memref<128xi32, #tpu.memory_space<vmem>>) semaphore(%arg10 : memref<!tpu.dma_semaphore, #tpu.memory_space<semaphore_mem>>)
    %dma_start3A_22 = arith.constant 2 : i32
    %dma_start3A_23 = arith.constant 0 : i32
    %dma_start3A_24 = arith.constant 0 : i32
    %dma_start3A_25 = tpu.memref_slice %arg8[%dma_start3A_22, %dma_start3A_23, %dma_start3A_24] : memref<7x128x128xf32, #tpu.memory_space<vmem>> -> memref<1x128x128xf32, #tpu.memory_space<vmem>>
    %dma_start3A_26 = tpu.memref_squeeze %dma_start3A_25 : memref<1x128x128xf32, #tpu.memory_space<vmem>> -> memref<128x128xf32, #tpu.memory_space<vmem>>
    %dma_start3A_27 = arith.constant 256 : i32
    %dma_start3A_28 = tpu.memref_slice %arg7[%dma_start3A_27] : memref<512xi32, #tpu.memory_space<vmem>> -> memref<128xi32, #tpu.memory_space<vmem>>
    %dma_start3A_29 = arith.constant 0 : i32
    %dma_start3A_30 = arith.constant 0 : i32
    %dma_start3A_31 = tpu.memref_slice %arg2[%dma_start3A_29, %dma_start3A_30] : memref<8192x128xf32, #tpu.memory_space<hbm>> -> memref<8192x128xf32, #tpu.memory_space<hbm>>
    tpu.enqueue_indirect_dma source(%dma_start3A_31 : memref<8192x128xf32, #tpu.memory_space<hbm>>) target(%dma_start3A_26 : memref<128x128xf32, #tpu.memory_space<vmem>>) offsets(%dma_start3A_28 : memref<128xi32, #tpu.memory_space<vmem>>) semaphore(%arg11 : memref<!tpu.dma_semaphore, #tpu.memory_space<semaphore_mem>>)
    %dma_start3A_32 = arith.constant 3 : i32
    %dma_start3A_33 = arith.constant 0 : i32
    %dma_start3A_34 = arith.constant 0 : i32
    %dma_start3A_35 = tpu.memref_slice %arg8[%dma_start3A_32, %dma_start3A_33, %dma_start3A_34] : memref<7x128x128xf32, #tpu.memory_space<vmem>> -> memref<1x128x128xf32, #tpu.memory_space<vmem>>
    %dma_start3A_36 = tpu.memref_squeeze %dma_start3A_35 : memref<1x128x128xf32, #tpu.memory_space<vmem>> -> memref<128x128xf32, #tpu.memory_space<vmem>>
    %dma_start3A_37 = arith.constant 384 : i32
    %dma_start3A_38 = tpu.memref_slice %arg7[%dma_start3A_37] : memref<512xi32, #tpu.memory_space<vmem>> -> memref<128xi32, #tpu.memory_space<vmem>>
    %dma_start3A_39 = arith.constant 0 : i32
    %dma_start3A_40 = arith.constant 0 : i32
    %dma_start3A_41 = tpu.memref_slice %arg2[%dma_start3A_39, %dma_start3A_40] : memref<8192x128xf32, #tpu.memory_space<hbm>> -> memref<8192x128xf32, #tpu.memory_space<hbm>>
    tpu.enqueue_indirect_dma source(%dma_start3A_41 : memref<8192x128xf32, #tpu.memory_space<hbm>>) target(%dma_start3A_36 : memref<128x128xf32, #tpu.memory_space<vmem>>) offsets(%dma_start3A_38 : memref<128xi32, #tpu.memory_space<vmem>>) semaphore(%arg12 : memref<!tpu.dma_semaphore, #tpu.memory_space<semaphore_mem>>)
    %dma_start3A_42 = arith.constant 4 : i32
    %dma_start3A_43 = arith.constant 0 : i32
    %dma_start3A_44 = arith.constant 0 : i32
    %dma_start3A_45 = tpu.memref_slice %arg8[%dma_start3A_42, %dma_start3A_43, %dma_start3A_44] : memref<7x128x128xf32, #tpu.memory_space<vmem>> -> memref<1x128x128xf32, #tpu.memory_space<vmem>>
    %dma_start3A_46 = tpu.memref_squeeze %dma_start3A_45 : memref<1x128x128xf32, #tpu.memory_space<vmem>> -> memref<128x128xf32, #tpu.memory_space<vmem>>
    %dma_start3A_47 = arith.constant 0 : i32
    %dma_start3A_48 = tpu.memref_slice %arg7[%dma_start3A_47] : memref<512xi32, #tpu.memory_space<vmem>> -> memref<128xi32, #tpu.memory_space<vmem>>
    %dma_start3A_49 = arith.constant 0 : i32
    %dma_start3A_50 = arith.constant 0 : i32
    %dma_start3A_51 = tpu.memref_slice %arg3[%dma_start3A_49, %dma_start3A_50] : memref<8192x128xf32, #tpu.memory_space<hbm>> -> memref<8192x128xf32, #tpu.memory_space<hbm>>
    tpu.enqueue_indirect_dma source(%dma_start3A_51 : memref<8192x128xf32, #tpu.memory_space<hbm>>) target(%dma_start3A_46 : memref<128x128xf32, #tpu.memory_space<vmem>>) offsets(%dma_start3A_48 : memref<128xi32, #tpu.memory_space<vmem>>) semaphore(%arg13 : memref<!tpu.dma_semaphore, #tpu.memory_space<semaphore_mem>>)
    %dma_start3A_52 = arith.constant 5 : i32
    %dma_start3A_53 = arith.constant 0 : i32
    %dma_start3A_54 = arith.constant 0 : i32
    %dma_start3A_55 = tpu.memref_slice %arg8[%dma_start3A_52, %dma_start3A_53, %dma_start3A_54] : memref<7x128x128xf32, #tpu.memory_space<vmem>> -> memref<1x128x128xf32, #tpu.memory_space<vmem>>
    %dma_start3A_56 = tpu.memref_squeeze %dma_start3A_55 : memref<1x128x128xf32, #tpu.memory_space<vmem>> -> memref<128x128xf32, #tpu.memory_space<vmem>>
    %dma_start3A_57 = arith.constant 128 : i32
    %dma_start3A_58 = tpu.memref_slice %arg7[%dma_start3A_57] : memref<512xi32, #tpu.memory_space<vmem>> -> memref<128xi32, #tpu.memory_space<vmem>>
    %dma_start3A_59 = arith.constant 0 : i32
    %dma_start3A_60 = arith.constant 0 : i32
    %dma_start3A_61 = tpu.memref_slice %arg3[%dma_start3A_59, %dma_start3A_60] : memref<8192x128xf32, #tpu.memory_space<hbm>> -> memref<8192x128xf32, #tpu.memory_space<hbm>>
    tpu.enqueue_indirect_dma source(%dma_start3A_61 : memref<8192x128xf32, #tpu.memory_space<hbm>>) target(%dma_start3A_56 : memref<128x128xf32, #tpu.memory_space<vmem>>) offsets(%dma_start3A_58 : memref<128xi32, #tpu.memory_space<vmem>>) semaphore(%arg14 : memref<!tpu.dma_semaphore, #tpu.memory_space<semaphore_mem>>)
    %dma_wait3A = arith.constant 0 : i32
    %dma_wait3A_62 = arith.constant 0 : i32
    %dma_wait3A_63 = arith.constant 0 : i32
    %dma_wait3A_64 = tpu.memref_slice %arg8[%dma_wait3A, %dma_wait3A_62, %dma_wait3A_63] : memref<7x128x128xf32, #tpu.memory_space<vmem>> -> memref<1x128x128xf32, #tpu.memory_space<vmem>>
    %dma_wait3A_65 = tpu.memref_squeeze %dma_wait3A_64 : memref<1x128x128xf32, #tpu.memory_space<vmem>> -> memref<128x128xf32, #tpu.memory_space<vmem>>
    %dma_wait3A_66 = arith.constant 0 : i32
    %dma_wait3A_67 = tpu.memref_slice %arg7[%dma_wait3A_66] : memref<512xi32, #tpu.memory_space<vmem>> -> memref<128xi32, #tpu.memory_space<vmem>>
    %dma_wait3A_68 = arith.constant 0 : i32
    %dma_wait3A_69 = arith.constant 0 : i32
    %dma_wait3A_70 = tpu.memref_slice %arg2[%dma_wait3A_68, %dma_wait3A_69] : memref<8192x128xf32, #tpu.memory_space<hbm>> -> memref<8192x128xf32, #tpu.memory_space<hbm>>
    tpu.wait_indirect_dma semaphore(%arg9 : memref<!tpu.dma_semaphore, #tpu.memory_space<semaphore_mem>>) src(%dma_wait3A_70 : memref<8192x128xf32, #tpu.memory_space<hbm>>) dst(%dma_wait3A_65 : memref<128x128xf32, #tpu.memory_space<vmem>>)
    %add3A_71 = arith.constant 0 : i32
    %add3A_72 = arith.addi %mul3A_2, %add3A_71 : i32
    %dma_start3A_73 = arith.constant 0 : i32
    %dma_start3A_74 = arith.constant 0 : i32
    %dma_start3A_75 = arith.constant 0 : i32
    %dma_start3A_76 = tpu.memref_slice %arg8[%dma_start3A_73, %dma_start3A_74, %dma_start3A_75] : memref<7x128x128xf32, #tpu.memory_space<vmem>> -> memref<1x128x128xf32, #tpu.memory_space<vmem>>
    %dma_start3A_77 = tpu.memref_squeeze %dma_start3A_76 : memref<1x128x128xf32, #tpu.memory_space<vmem>> -> memref<128x128xf32, #tpu.memory_space<vmem>>
    %dma_start3A_78 = arith.constant 0 : i32
    %dma_start3A_79 = tpu.memref_slice %arg5[%add3A_72, %dma_start3A_78] : memref<16384x128xf32, #tpu.memory_space<hbm>> -> memref<128x128xf32, #tpu.memory_space<hbm>>
    %dma_start3A_80 = arith.constant 0 : i32
    %dma_start3A_81 = tpu.memref_slice %arg5[%add3A_72, %dma_start3A_80] : memref<16384x128xf32, #tpu.memory_space<hbm>> -> memref<128x128xf32, #tpu.memory_space<hbm>>
    %dma_start3A_82 = arith.constant 0 : i32
    %dma_start3A_83 = arith.constant 0 : i32
    %dma_start3A_84 = tpu.memref_slice %arg8[%dma_start3A_73, %dma_start3A_82, %dma_start3A_83] : memref<7x128x128xf32, #tpu.memory_space<vmem>> -> memref<1x128x128xf32, #tpu.memory_space<vmem>>
    %dma_start3A_85 = tpu.memref_squeeze %dma_start3A_84 : memref<1x128x128xf32, #tpu.memory_space<vmem>> -> memref<128x128xf32, #tpu.memory_space<vmem>>
    tpu.enqueue_dma source(%dma_start3A_85 : memref<128x128xf32, #tpu.memory_space<vmem>>) target(%dma_start3A_81 : memref<128x128xf32, #tpu.memory_space<hbm>>) target_semaphore(%arg16 : memref<!tpu.dma_semaphore, #tpu.memory_space<semaphore_mem>>)
    %dma_start3A_86 = arith.constant 6 : i32
    %dma_start3A_87 = arith.constant 0 : i32
    %dma_start3A_88 = arith.constant 0 : i32
    %dma_start3A_89 = tpu.memref_slice %arg8[%dma_start3A_86, %dma_start3A_87, %dma_start3A_88] : memref<7x128x128xf32, #tpu.memory_space<vmem>> -> memref<1x128x128xf32, #tpu.memory_space<vmem>>
    %dma_start3A_90 = tpu.memref_squeeze %dma_start3A_89 : memref<1x128x128xf32, #tpu.memory_space<vmem>> -> memref<128x128xf32, #tpu.memory_space<vmem>>
    %dma_start3A_91 = arith.constant 256 : i32
    %dma_start3A_92 = tpu.memref_slice %arg7[%dma_start3A_91] : memref<512xi32, #tpu.memory_space<vmem>> -> memref<128xi32, #tpu.memory_space<vmem>>
    %dma_start3A_93 = arith.constant 0 : i32
    %dma_start3A_94 = arith.constant 0 : i32
    %dma_start3A_95 = tpu.memref_slice %arg3[%dma_start3A_93, %dma_start3A_94] : memref<8192x128xf32, #tpu.memory_space<hbm>> -> memref<8192x128xf32, #tpu.memory_space<hbm>>
    tpu.enqueue_indirect_dma source(%dma_start3A_95 : memref<8192x128xf32, #tpu.memory_space<hbm>>) target(%dma_start3A_90 : memref<128x128xf32, #tpu.memory_space<vmem>>) offsets(%dma_start3A_92 : memref<128xi32, #tpu.memory_space<vmem>>) semaphore(%arg15 : memref<!tpu.dma_semaphore, #tpu.memory_space<semaphore_mem>>)
    %dma_wait3A_96 = arith.constant 1 : i32
    %dma_wait3A_97 = arith.constant 0 : i32
    %dma_wait3A_98 = arith.constant 0 : i32
    %dma_wait3A_99 = tpu.memref_slice %arg8[%dma_wait3A_96, %dma_wait3A_97, %dma_wait3A_98] : memref<7x128x128xf32, #tpu.memory_space<vmem>> -> memref<1x128x128xf32, #tpu.memory_space<vmem>>
    %dma_wait3A_100 = tpu.memref_squeeze %dma_wait3A_99 : memref<1x128x128xf32, #tpu.memory_space<vmem>> -> memref<128x128xf32, #tpu.memory_space<vmem>>
    %dma_wait3A_101 = arith.constant 128 : i32
    %dma_wait3A_102 = tpu.memref_slice %arg7[%dma_wait3A_101] : memref<512xi32, #tpu.memory_space<vmem>> -> memref<128xi32, #tpu.memory_space<vmem>>
    %dma_wait3A_103 = arith.constant 0 : i32
    %dma_wait3A_104 = arith.constant 0 : i32
    %dma_wait3A_105 = tpu.memref_slice %arg2[%dma_wait3A_103, %dma_wait3A_104] : memref<8192x128xf32, #tpu.memory_space<hbm>> -> memref<8192x128xf32, #tpu.memory_space<hbm>>
    tpu.wait_indirect_dma semaphore(%arg10 : memref<!tpu.dma_semaphore, #tpu.memory_space<semaphore_mem>>) src(%dma_wait3A_105 : memref<8192x128xf32, #tpu.memory_space<hbm>>) dst(%dma_wait3A_100 : memref<128x128xf32, #tpu.memory_space<vmem>>)
    %add3A_106 = arith.constant 128 : i32
    %add3A_107 = arith.addi %mul3A_2, %add3A_106 : i32
    %dma_start3A_108 = arith.constant 1 : i32
    %dma_start3A_109 = arith.constant 0 : i32
    %dma_start3A_110 = arith.constant 0 : i32
    %dma_start3A_111 = tpu.memref_slice %arg8[%dma_start3A_108, %dma_start3A_109, %dma_start3A_110] : memref<7x128x128xf32, #tpu.memory_space<vmem>> -> memref<1x128x128xf32, #tpu.memory_space<vmem>>
    %dma_start3A_112 = tpu.memref_squeeze %dma_start3A_111 : memref<1x128x128xf32, #tpu.memory_space<vmem>> -> memref<128x128xf32, #tpu.memory_space<vmem>>
    %dma_start3A_113 = arith.constant 0 : i32
    %dma_start3A_114 = tpu.memref_slice %arg5[%add3A_107, %dma_start3A_113] : memref<16384x128xf32, #tpu.memory_space<hbm>> -> memref<128x128xf32, #tpu.memory_space<hbm>>
    %dma_start3A_115 = arith.constant 0 : i32
    %dma_start3A_116 = tpu.memref_slice %arg5[%add3A_107, %dma_start3A_115] : memref<16384x128xf32, #tpu.memory_space<hbm>> -> memref<128x128xf32, #tpu.memory_space<hbm>>
    %dma_start3A_117 = arith.constant 0 : i32
    %dma_start3A_118 = arith.constant 0 : i32
    %dma_start3A_119 = tpu.memref_slice %arg8[%dma_start3A_108, %dma_start3A_117, %dma_start3A_118] : memref<7x128x128xf32, #tpu.memory_space<vmem>> -> memref<1x128x128xf32, #tpu.memory_space<vmem>>
    %dma_start3A_120 = tpu.memref_squeeze %dma_start3A_119 : memref<1x128x128xf32, #tpu.memory_space<vmem>> -> memref<128x128xf32, #tpu.memory_space<vmem>>
    tpu.enqueue_dma source(%dma_start3A_120 : memref<128x128xf32, #tpu.memory_space<vmem>>) target(%dma_start3A_116 : memref<128x128xf32, #tpu.memory_space<hbm>>) target_semaphore(%arg17 : memref<!tpu.dma_semaphore, #tpu.memory_space<semaphore_mem>>)
    %dma_wait3A_121 = arith.constant 0 : i32
    %dma_wait3A_122 = arith.constant 0 : i32
    %dma_wait3A_123 = arith.constant 0 : i32
    %dma_wait3A_124 = tpu.memref_slice %arg8[%dma_wait3A_121, %dma_wait3A_122, %dma_wait3A_123] : memref<7x128x128xf32, #tpu.memory_space<vmem>> -> memref<1x128x128xf32, #tpu.memory_space<vmem>>
    %dma_wait3A_125 = tpu.memref_squeeze %dma_wait3A_124 : memref<1x128x128xf32, #tpu.memory_space<vmem>> -> memref<128x128xf32, #tpu.memory_space<vmem>>
    %dma_wait3A_126 = arith.constant 0 : i32
    %dma_wait3A_127 = tpu.memref_slice %arg5[%add3A_72, %dma_wait3A_126] : memref<16384x128xf32, #tpu.memory_space<hbm>> -> memref<128x128xf32, #tpu.memory_space<hbm>>
    %dma_wait3A_128 = arith.constant 0 : i32
    %dma_wait3A_129 = tpu.memref_slice %arg5[%add3A_72, %dma_wait3A_128] : memref<16384x128xf32, #tpu.memory_space<hbm>> -> memref<128x128xf32, #tpu.memory_space<hbm>>
    %dma_wait3A_130 = arith.constant 0 : i32
    %dma_wait3A_131 = arith.constant 0 : i32
    %dma_wait3A_132 = tpu.memref_slice %arg8[%dma_wait3A_121, %dma_wait3A_130, %dma_wait3A_131] : memref<7x128x128xf32, #tpu.memory_space<vmem>> -> memref<1x128x128xf32, #tpu.memory_space<vmem>>
    %dma_wait3A_133 = tpu.memref_squeeze %dma_wait3A_132 : memref<1x128x128xf32, #tpu.memory_space<vmem>> -> memref<128x128xf32, #tpu.memory_space<vmem>>
    tpu.wait_dma2 semaphore(%arg16 : memref<!tpu.dma_semaphore, #tpu.memory_space<semaphore_mem>>) src(%dma_wait3A_133 : memref<128x128xf32, #tpu.memory_space<vmem>>) dst(%dma_wait3A_129 : memref<128x128xf32, #tpu.memory_space<hbm>>)
    %dma_start3A_134 = arith.constant 0 : i32
    %dma_start3A_135 = arith.constant 0 : i32
    %dma_start3A_136 = arith.constant 0 : i32
    %dma_start3A_137 = tpu.memref_slice %arg8[%dma_start3A_134, %dma_start3A_135, %dma_start3A_136] : memref<7x128x128xf32, #tpu.memory_space<vmem>> -> memref<1x128x128xf32, #tpu.memory_space<vmem>>
    %dma_start3A_138 = tpu.memref_squeeze %dma_start3A_137 : memref<1x128x128xf32, #tpu.memory_space<vmem>> -> memref<128x128xf32, #tpu.memory_space<vmem>>
    %dma_start3A_139 = arith.constant 384 : i32
    %dma_start3A_140 = tpu.memref_slice %arg7[%dma_start3A_139] : memref<512xi32, #tpu.memory_space<vmem>> -> memref<128xi32, #tpu.memory_space<vmem>>
    %dma_start3A_141 = arith.constant 0 : i32
    %dma_start3A_142 = arith.constant 0 : i32
    %dma_start3A_143 = tpu.memref_slice %arg3[%dma_start3A_141, %dma_start3A_142] : memref<8192x128xf32, #tpu.memory_space<hbm>> -> memref<8192x128xf32, #tpu.memory_space<hbm>>
    tpu.enqueue_indirect_dma source(%dma_start3A_143 : memref<8192x128xf32, #tpu.memory_space<hbm>>) target(%dma_start3A_138 : memref<128x128xf32, #tpu.memory_space<vmem>>) offsets(%dma_start3A_140 : memref<128xi32, #tpu.memory_space<vmem>>) semaphore(%arg9 : memref<!tpu.dma_semaphore, #tpu.memory_space<semaphore_mem>>)
    %dma_wait3A_144 = arith.constant 2 : i32
    %dma_wait3A_145 = arith.constant 0 : i32
    %dma_wait3A_146 = arith.constant 0 : i32
    %dma_wait3A_147 = tpu.memref_slice %arg8[%dma_wait3A_144, %dma_wait3A_145, %dma_wait3A_146] : memref<7x128x128xf32, #tpu.memory_space<vmem>> -> memref<1x128x128xf32, #tpu.memory_space<vmem>>
    %dma_wait3A_148 = tpu.memref_squeeze %dma_wait3A_147 : memref<1x128x128xf32, #tpu.memory_space<vmem>> -> memref<128x128xf32, #tpu.memory_space<vmem>>
    %dma_wait3A_149 = arith.constant 256 : i32
    %dma_wait3A_150 = tpu.memref_slice %arg7[%dma_wait3A_149] : memref<512xi32, #tpu.memory_space<vmem>> -> memref<128xi32, #tpu.memory_space<vmem>>
    %dma_wait3A_151 = arith.constant 0 : i32
    %dma_wait3A_152 = arith.constant 0 : i32
    %dma_wait3A_153 = tpu.memref_slice %arg2[%dma_wait3A_151, %dma_wait3A_152] : memref<8192x128xf32, #tpu.memory_space<hbm>> -> memref<8192x128xf32, #tpu.memory_space<hbm>>
    tpu.wait_indirect_dma semaphore(%arg11 : memref<!tpu.dma_semaphore, #tpu.memory_space<semaphore_mem>>) src(%dma_wait3A_153 : memref<8192x128xf32, #tpu.memory_space<hbm>>) dst(%dma_wait3A_148 : memref<128x128xf32, #tpu.memory_space<vmem>>)
    %add3A_154 = arith.constant 256 : i32
    %add3A_155 = arith.addi %mul3A_2, %add3A_154 : i32
    %dma_start3A_156 = arith.constant 2 : i32
    %dma_start3A_157 = arith.constant 0 : i32
    %dma_start3A_158 = arith.constant 0 : i32
    %dma_start3A_159 = tpu.memref_slice %arg8[%dma_start3A_156, %dma_start3A_157, %dma_start3A_158] : memref<7x128x128xf32, #tpu.memory_space<vmem>> -> memref<1x128x128xf32, #tpu.memory_space<vmem>>
    %dma_start3A_160 = tpu.memref_squeeze %dma_start3A_159 : memref<1x128x128xf32, #tpu.memory_space<vmem>> -> memref<128x128xf32, #tpu.memory_space<vmem>>
    %dma_start3A_161 = arith.constant 0 : i32
    %dma_start3A_162 = tpu.memref_slice %arg5[%add3A_155, %dma_start3A_161] : memref<16384x128xf32, #tpu.memory_space<hbm>> -> memref<128x128xf32, #tpu.memory_space<hbm>>
    %dma_start3A_163 = arith.constant 0 : i32
    %dma_start3A_164 = tpu.memref_slice %arg5[%add3A_155, %dma_start3A_163] : memref<16384x128xf32, #tpu.memory_space<hbm>> -> memref<128x128xf32, #tpu.memory_space<hbm>>
    %dma_start3A_165 = arith.constant 0 : i32
    %dma_start3A_166 = arith.constant 0 : i32
    %dma_start3A_167 = tpu.memref_slice %arg8[%dma_start3A_156, %dma_start3A_165, %dma_start3A_166] : memref<7x128x128xf32, #tpu.memory_space<vmem>> -> memref<1x128x128xf32, #tpu.memory_space<vmem>>
    %dma_start3A_168 = tpu.memref_squeeze %dma_start3A_167 : memref<1x128x128xf32, #tpu.memory_space<vmem>> -> memref<128x128xf32, #tpu.memory_space<vmem>>
    tpu.enqueue_dma source(%dma_start3A_168 : memref<128x128xf32, #tpu.memory_space<vmem>>) target(%dma_start3A_164 : memref<128x128xf32, #tpu.memory_space<hbm>>) target_semaphore(%arg18 : memref<!tpu.dma_semaphore, #tpu.memory_space<semaphore_mem>>)
    %dma_wait3A_169 = arith.constant 3 : i32
    %dma_wait3A_170 = arith.constant 0 : i32
    %dma_wait3A_171 = arith.constant 0 : i32
    %dma_wait3A_172 = tpu.memref_slice %arg8[%dma_wait3A_169, %dma_wait3A_170, %dma_wait3A_171] : memref<7x128x128xf32, #tpu.memory_space<vmem>> -> memref<1x128x128xf32, #tpu.memory_space<vmem>>
    %dma_wait3A_173 = tpu.memref_squeeze %dma_wait3A_172 : memref<1x128x128xf32, #tpu.memory_space<vmem>> -> memref<128x128xf32, #tpu.memory_space<vmem>>
    %dma_wait3A_174 = arith.constant 384 : i32
    %dma_wait3A_175 = tpu.memref_slice %arg7[%dma_wait3A_174] : memref<512xi32, #tpu.memory_space<vmem>> -> memref<128xi32, #tpu.memory_space<vmem>>
    %dma_wait3A_176 = arith.constant 0 : i32
    %dma_wait3A_177 = arith.constant 0 : i32
    %dma_wait3A_178 = tpu.memref_slice %arg2[%dma_wait3A_176, %dma_wait3A_177] : memref<8192x128xf32, #tpu.memory_space<hbm>> -> memref<8192x128xf32, #tpu.memory_space<hbm>>
    tpu.wait_indirect_dma semaphore(%arg12 : memref<!tpu.dma_semaphore, #tpu.memory_space<semaphore_mem>>) src(%dma_wait3A_178 : memref<8192x128xf32, #tpu.memory_space<hbm>>) dst(%dma_wait3A_173 : memref<128x128xf32, #tpu.memory_space<vmem>>)
    %add3A_179 = arith.constant 384 : i32
    %add3A_180 = arith.addi %mul3A_2, %add3A_179 : i32
    %dma_start3A_181 = arith.constant 3 : i32
    %dma_start3A_182 = arith.constant 0 : i32
    %dma_start3A_183 = arith.constant 0 : i32
    %dma_start3A_184 = tpu.memref_slice %arg8[%dma_start3A_181, %dma_start3A_182, %dma_start3A_183] : memref<7x128x128xf32, #tpu.memory_space<vmem>> -> memref<1x128x128xf32, #tpu.memory_space<vmem>>
    %dma_start3A_185 = tpu.memref_squeeze %dma_start3A_184 : memref<1x128x128xf32, #tpu.memory_space<vmem>> -> memref<128x128xf32, #tpu.memory_space<vmem>>
    %dma_start3A_186 = arith.constant 0 : i32
    %dma_start3A_187 = tpu.memref_slice %arg5[%add3A_180, %dma_start3A_186] : memref<16384x128xf32, #tpu.memory_space<hbm>> -> memref<128x128xf32, #tpu.memory_space<hbm>>
    %dma_start3A_188 = arith.constant 0 : i32
    %dma_start3A_189 = tpu.memref_slice %arg5[%add3A_180, %dma_start3A_188] : memref<16384x128xf32, #tpu.memory_space<hbm>> -> memref<128x128xf32, #tpu.memory_space<hbm>>
    %dma_start3A_190 = arith.constant 0 : i32
    %dma_start3A_191 = arith.constant 0 : i32
    %dma_start3A_192 = tpu.memref_slice %arg8[%dma_start3A_181, %dma_start3A_190, %dma_start3A_191] : memref<7x128x128xf32, #tpu.memory_space<vmem>> -> memref<1x128x128xf32, #tpu.memory_space<vmem>>
    %dma_start3A_193 = tpu.memref_squeeze %dma_start3A_192 : memref<1x128x128xf32, #tpu.memory_space<vmem>> -> memref<128x128xf32, #tpu.memory_space<vmem>>
    tpu.enqueue_dma source(%dma_start3A_193 : memref<128x128xf32, #tpu.memory_space<vmem>>) target(%dma_start3A_189 : memref<128x128xf32, #tpu.memory_space<hbm>>) target_semaphore(%arg19 : memref<!tpu.dma_semaphore, #tpu.memory_space<semaphore_mem>>)
    %dma_wait3A_194 = arith.constant 4 : i32
    %dma_wait3A_195 = arith.constant 0 : i32
    %dma_wait3A_196 = arith.constant 0 : i32
    %dma_wait3A_197 = tpu.memref_slice %arg8[%dma_wait3A_194, %dma_wait3A_195, %dma_wait3A_196] : memref<7x128x128xf32, #tpu.memory_space<vmem>> -> memref<1x128x128xf32, #tpu.memory_space<vmem>>
    %dma_wait3A_198 = tpu.memref_squeeze %dma_wait3A_197 : memref<1x128x128xf32, #tpu.memory_space<vmem>> -> memref<128x128xf32, #tpu.memory_space<vmem>>
    %dma_wait3A_199 = arith.constant 0 : i32
    %dma_wait3A_200 = tpu.memref_slice %arg7[%dma_wait3A_199] : memref<512xi32, #tpu.memory_space<vmem>> -> memref<128xi32, #tpu.memory_space<vmem>>
    %dma_wait3A_201 = arith.constant 0 : i32
    %dma_wait3A_202 = arith.constant 0 : i32
    %dma_wait3A_203 = tpu.memref_slice %arg3[%dma_wait3A_201, %dma_wait3A_202] : memref<8192x128xf32, #tpu.memory_space<hbm>> -> memref<8192x128xf32, #tpu.memory_space<hbm>>
    tpu.wait_indirect_dma semaphore(%arg13 : memref<!tpu.dma_semaphore, #tpu.memory_space<semaphore_mem>>) src(%dma_wait3A_203 : memref<8192x128xf32, #tpu.memory_space<hbm>>) dst(%dma_wait3A_198 : memref<128x128xf32, #tpu.memory_space<vmem>>)
    %add3A_204 = arith.constant 0 : i32
    %add3A_205 = arith.addi %mul3A_2, %add3A_204 : i32
    %dma_start3A_206 = arith.constant 4 : i32
    %dma_start3A_207 = arith.constant 0 : i32
    %dma_start3A_208 = arith.constant 0 : i32
    %dma_start3A_209 = tpu.memref_slice %arg8[%dma_start3A_206, %dma_start3A_207, %dma_start3A_208] : memref<7x128x128xf32, #tpu.memory_space<vmem>> -> memref<1x128x128xf32, #tpu.memory_space<vmem>>
    %dma_start3A_210 = tpu.memref_squeeze %dma_start3A_209 : memref<1x128x128xf32, #tpu.memory_space<vmem>> -> memref<128x128xf32, #tpu.memory_space<vmem>>
    %dma_start3A_211 = arith.constant 0 : i32
    %dma_start3A_212 = tpu.memref_slice %arg6[%add3A_205, %dma_start3A_211] : memref<16384x128xf32, #tpu.memory_space<hbm>> -> memref<128x128xf32, #tpu.memory_space<hbm>>
    %dma_start3A_213 = arith.constant 0 : i32
    %dma_start3A_214 = tpu.memref_slice %arg6[%add3A_205, %dma_start3A_213] : memref<16384x128xf32, #tpu.memory_space<hbm>> -> memref<128x128xf32, #tpu.memory_space<hbm>>
    %dma_start3A_215 = arith.constant 0 : i32
    %dma_start3A_216 = arith.constant 0 : i32
    %dma_start3A_217 = tpu.memref_slice %arg8[%dma_start3A_206, %dma_start3A_215, %dma_start3A_216] : memref<7x128x128xf32, #tpu.memory_space<vmem>> -> memref<1x128x128xf32, #tpu.memory_space<vmem>>
    %dma_start3A_218 = tpu.memref_squeeze %dma_start3A_217 : memref<1x128x128xf32, #tpu.memory_space<vmem>> -> memref<128x128xf32, #tpu.memory_space<vmem>>
    tpu.enqueue_dma source(%dma_start3A_218 : memref<128x128xf32, #tpu.memory_space<vmem>>) target(%dma_start3A_214 : memref<128x128xf32, #tpu.memory_space<hbm>>) target_semaphore(%arg20 : memref<!tpu.dma_semaphore, #tpu.memory_space<semaphore_mem>>)
    %dma_wait3A_219 = arith.constant 5 : i32
    %dma_wait3A_220 = arith.constant 0 : i32
    %dma_wait3A_221 = arith.constant 0 : i32
    %dma_wait3A_222 = tpu.memref_slice %arg8[%dma_wait3A_219, %dma_wait3A_220, %dma_wait3A_221] : memref<7x128x128xf32, #tpu.memory_space<vmem>> -> memref<1x128x128xf32, #tpu.memory_space<vmem>>
    %dma_wait3A_223 = tpu.memref_squeeze %dma_wait3A_222 : memref<1x128x128xf32, #tpu.memory_space<vmem>> -> memref<128x128xf32, #tpu.memory_space<vmem>>
    %dma_wait3A_224 = arith.constant 128 : i32
    %dma_wait3A_225 = tpu.memref_slice %arg7[%dma_wait3A_224] : memref<512xi32, #tpu.memory_space<vmem>> -> memref<128xi32, #tpu.memory_space<vmem>>
    %dma_wait3A_226 = arith.constant 0 : i32
    %dma_wait3A_227 = arith.constant 0 : i32
    %dma_wait3A_228 = tpu.memref_slice %arg3[%dma_wait3A_226, %dma_wait3A_227] : memref<8192x128xf32, #tpu.memory_space<hbm>> -> memref<8192x128xf32, #tpu.memory_space<hbm>>
    tpu.wait_indirect_dma semaphore(%arg14 : memref<!tpu.dma_semaphore, #tpu.memory_space<semaphore_mem>>) src(%dma_wait3A_228 : memref<8192x128xf32, #tpu.memory_space<hbm>>) dst(%dma_wait3A_223 : memref<128x128xf32, #tpu.memory_space<vmem>>)
    %add3A_229 = arith.constant 128 : i32
    %add3A_230 = arith.addi %mul3A_2, %add3A_229 : i32
    %dma_start3A_231 = arith.constant 5 : i32
    %dma_start3A_232 = arith.constant 0 : i32
    %dma_start3A_233 = arith.constant 0 : i32
    %dma_start3A_234 = tpu.memref_slice %arg8[%dma_start3A_231, %dma_start3A_232, %dma_start3A_233] : memref<7x128x128xf32, #tpu.memory_space<vmem>> -> memref<1x128x128xf32, #tpu.memory_space<vmem>>
    %dma_start3A_235 = tpu.memref_squeeze %dma_start3A_234 : memref<1x128x128xf32, #tpu.memory_space<vmem>> -> memref<128x128xf32, #tpu.memory_space<vmem>>
    %dma_start3A_236 = arith.constant 0 : i32
    %dma_start3A_237 = tpu.memref_slice %arg6[%add3A_230, %dma_start3A_236] : memref<16384x128xf32, #tpu.memory_space<hbm>> -> memref<128x128xf32, #tpu.memory_space<hbm>>
    %dma_start3A_238 = arith.constant 0 : i32
    %dma_start3A_239 = tpu.memref_slice %arg6[%add3A_230, %dma_start3A_238] : memref<16384x128xf32, #tpu.memory_space<hbm>> -> memref<128x128xf32, #tpu.memory_space<hbm>>
    %dma_start3A_240 = arith.constant 0 : i32
    %dma_start3A_241 = arith.constant 0 : i32
    %dma_start3A_242 = tpu.memref_slice %arg8[%dma_start3A_231, %dma_start3A_240, %dma_start3A_241] : memref<7x128x128xf32, #tpu.memory_space<vmem>> -> memref<1x128x128xf32, #tpu.memory_space<vmem>>
    %dma_start3A_243 = tpu.memref_squeeze %dma_start3A_242 : memref<1x128x128xf32, #tpu.memory_space<vmem>> -> memref<128x128xf32, #tpu.memory_space<vmem>>
    tpu.enqueue_dma source(%dma_start3A_243 : memref<128x128xf32, #tpu.memory_space<vmem>>) target(%dma_start3A_239 : memref<128x128xf32, #tpu.memory_space<hbm>>) target_semaphore(%arg21 : memref<!tpu.dma_semaphore, #tpu.memory_space<semaphore_mem>>)
    %dma_wait3A_244 = arith.constant 6 : i32
    %dma_wait3A_245 = arith.constant 0 : i32
    %dma_wait3A_246 = arith.constant 0 : i32
    %dma_wait3A_247 = tpu.memref_slice %arg8[%dma_wait3A_244, %dma_wait3A_245, %dma_wait3A_246] : memref<7x128x128xf32, #tpu.memory_space<vmem>> -> memref<1x128x128xf32, #tpu.memory_space<vmem>>
    %dma_wait3A_248 = tpu.memref_squeeze %dma_wait3A_247 : memref<1x128x128xf32, #tpu.memory_space<vmem>> -> memref<128x128xf32, #tpu.memory_space<vmem>>
    %dma_wait3A_249 = arith.constant 256 : i32
    %dma_wait3A_250 = tpu.memref_slice %arg7[%dma_wait3A_249] : memref<512xi32, #tpu.memory_space<vmem>> -> memref<128xi32, #tpu.memory_space<vmem>>
    %dma_wait3A_251 = arith.constant 0 : i32
    %dma_wait3A_252 = arith.constant 0 : i32
    %dma_wait3A_253 = tpu.memref_slice %arg3[%dma_wait3A_251, %dma_wait3A_252] : memref<8192x128xf32, #tpu.memory_space<hbm>> -> memref<8192x128xf32, #tpu.memory_space<hbm>>
    tpu.wait_indirect_dma semaphore(%arg15 : memref<!tpu.dma_semaphore, #tpu.memory_space<semaphore_mem>>) src(%dma_wait3A_253 : memref<8192x128xf32, #tpu.memory_space<hbm>>) dst(%dma_wait3A_248 : memref<128x128xf32, #tpu.memory_space<vmem>>)
    %add3A_254 = arith.constant 256 : i32
    %add3A_255 = arith.addi %mul3A_2, %add3A_254 : i32
    %dma_start3A_256 = arith.constant 6 : i32
    %dma_start3A_257 = arith.constant 0 : i32
    %dma_start3A_258 = arith.constant 0 : i32
    %dma_start3A_259 = tpu.memref_slice %arg8[%dma_start3A_256, %dma_start3A_257, %dma_start3A_258] : memref<7x128x128xf32, #tpu.memory_space<vmem>> -> memref<1x128x128xf32, #tpu.memory_space<vmem>>
    %dma_start3A_260 = tpu.memref_squeeze %dma_start3A_259 : memref<1x128x128xf32, #tpu.memory_space<vmem>> -> memref<128x128xf32, #tpu.memory_space<vmem>>
    %dma_start3A_261 = arith.constant 0 : i32
    %dma_start3A_262 = tpu.memref_slice %arg6[%add3A_255, %dma_start3A_261] : memref<16384x128xf32, #tpu.memory_space<hbm>> -> memref<128x128xf32, #tpu.memory_space<hbm>>
    %dma_start3A_263 = arith.constant 0 : i32
    %dma_start3A_264 = tpu.memref_slice %arg6[%add3A_255, %dma_start3A_263] : memref<16384x128xf32, #tpu.memory_space<hbm>> -> memref<128x128xf32, #tpu.memory_space<hbm>>
    %dma_start3A_265 = arith.constant 0 : i32
    %dma_start3A_266 = arith.constant 0 : i32
    %dma_start3A_267 = tpu.memref_slice %arg8[%dma_start3A_256, %dma_start3A_265, %dma_start3A_266] : memref<7x128x128xf32, #tpu.memory_space<vmem>> -> memref<1x128x128xf32, #tpu.memory_space<vmem>>
    %dma_start3A_268 = tpu.memref_squeeze %dma_start3A_267 : memref<1x128x128xf32, #tpu.memory_space<vmem>> -> memref<128x128xf32, #tpu.memory_space<vmem>>
    tpu.enqueue_dma source(%dma_start3A_268 : memref<128x128xf32, #tpu.memory_space<vmem>>) target(%dma_start3A_264 : memref<128x128xf32, #tpu.memory_space<hbm>>) target_semaphore(%arg22 : memref<!tpu.dma_semaphore, #tpu.memory_space<semaphore_mem>>)
    %dma_wait3A_269 = arith.constant 0 : i32
    %dma_wait3A_270 = arith.constant 0 : i32
    %dma_wait3A_271 = arith.constant 0 : i32
    %dma_wait3A_272 = tpu.memref_slice %arg8[%dma_wait3A_269, %dma_wait3A_270, %dma_wait3A_271] : memref<7x128x128xf32, #tpu.memory_space<vmem>> -> memref<1x128x128xf32, #tpu.memory_space<vmem>>
    %dma_wait3A_273 = tpu.memref_squeeze %dma_wait3A_272 : memref<1x128x128xf32, #tpu.memory_space<vmem>> -> memref<128x128xf32, #tpu.memory_space<vmem>>
    %dma_wait3A_274 = arith.constant 384 : i32
    %dma_wait3A_275 = tpu.memref_slice %arg7[%dma_wait3A_274] : memref<512xi32, #tpu.memory_space<vmem>> -> memref<128xi32, #tpu.memory_space<vmem>>
    %dma_wait3A_276 = arith.constant 0 : i32
    %dma_wait3A_277 = arith.constant 0 : i32
    %dma_wait3A_278 = tpu.memref_slice %arg3[%dma_wait3A_276, %dma_wait3A_277] : memref<8192x128xf32, #tpu.memory_space<hbm>> -> memref<8192x128xf32, #tpu.memory_space<hbm>>
    tpu.wait_indirect_dma semaphore(%arg9 : memref<!tpu.dma_semaphore, #tpu.memory_space<semaphore_mem>>) src(%dma_wait3A_278 : memref<8192x128xf32, #tpu.memory_space<hbm>>) dst(%dma_wait3A_273 : memref<128x128xf32, #tpu.memory_space<vmem>>)
    %add3A_279 = arith.constant 384 : i32
    %add3A_280 = arith.addi %mul3A_2, %add3A_279 : i32
    %dma_start3A_281 = arith.constant 0 : i32
    %dma_start3A_282 = arith.constant 0 : i32
    %dma_start3A_283 = arith.constant 0 : i32
    %dma_start3A_284 = tpu.memref_slice %arg8[%dma_start3A_281, %dma_start3A_282, %dma_start3A_283] : memref<7x128x128xf32, #tpu.memory_space<vmem>> -> memref<1x128x128xf32, #tpu.memory_space<vmem>>
    %dma_start3A_285 = tpu.memref_squeeze %dma_start3A_284 : memref<1x128x128xf32, #tpu.memory_space<vmem>> -> memref<128x128xf32, #tpu.memory_space<vmem>>
    %dma_start3A_286 = arith.constant 0 : i32
    %dma_start3A_287 = tpu.memref_slice %arg6[%add3A_280, %dma_start3A_286] : memref<16384x128xf32, #tpu.memory_space<hbm>> -> memref<128x128xf32, #tpu.memory_space<hbm>>
    %dma_start3A_288 = arith.constant 0 : i32
    %dma_start3A_289 = tpu.memref_slice %arg6[%add3A_280, %dma_start3A_288] : memref<16384x128xf32, #tpu.memory_space<hbm>> -> memref<128x128xf32, #tpu.memory_space<hbm>>
    %dma_start3A_290 = arith.constant 0 : i32
    %dma_start3A_291 = arith.constant 0 : i32
    %dma_start3A_292 = tpu.memref_slice %arg8[%dma_start3A_281, %dma_start3A_290, %dma_start3A_291] : memref<7x128x128xf32, #tpu.memory_space<vmem>> -> memref<1x128x128xf32, #tpu.memory_space<vmem>>
    %dma_start3A_293 = tpu.memref_squeeze %dma_start3A_292 : memref<1x128x128xf32, #tpu.memory_space<vmem>> -> memref<128x128xf32, #tpu.memory_space<vmem>>
    tpu.enqueue_dma source(%dma_start3A_293 : memref<128x128xf32, #tpu.memory_space<vmem>>) target(%dma_start3A_289 : memref<128x128xf32, #tpu.memory_space<hbm>>) target_semaphore(%arg16 : memref<!tpu.dma_semaphore, #tpu.memory_space<semaphore_mem>>)
    %dma_wait3A_294 = arith.constant 1 : i32
    %dma_wait3A_295 = arith.constant 0 : i32
    %dma_wait3A_296 = arith.constant 0 : i32
    %dma_wait3A_297 = tpu.memref_slice %arg8[%dma_wait3A_294, %dma_wait3A_295, %dma_wait3A_296] : memref<7x128x128xf32, #tpu.memory_space<vmem>> -> memref<1x128x128xf32, #tpu.memory_space<vmem>>
    %dma_wait3A_298 = tpu.memref_squeeze %dma_wait3A_297 : memref<1x128x128xf32, #tpu.memory_space<vmem>> -> memref<128x128xf32, #tpu.memory_space<vmem>>
    %dma_wait3A_299 = arith.constant 0 : i32
    %dma_wait3A_300 = tpu.memref_slice %arg5[%add3A_107, %dma_wait3A_299] : memref<16384x128xf32, #tpu.memory_space<hbm>> -> memref<128x128xf32, #tpu.memory_space<hbm>>
    %dma_wait3A_301 = arith.constant 0 : i32
    %dma_wait3A_302 = tpu.memref_slice %arg5[%add3A_107, %dma_wait3A_301] : memref<16384x128xf32, #tpu.memory_space<hbm>> -> memref<128x128xf32, #tpu.memory_space<hbm>>
    %dma_wait3A_303 = arith.constant 0 : i32
    %dma_wait3A_304 = arith.constant 0 : i32
    %dma_wait3A_305 = tpu.memref_slice %arg8[%dma_wait3A_294, %dma_wait3A_303, %dma_wait3A_304] : memref<7x128x128xf32, #tpu.memory_space<vmem>> -> memref<1x128x128xf32, #tpu.memory_space<vmem>>
    %dma_wait3A_306 = tpu.memref_squeeze %dma_wait3A_305 : memref<1x128x128xf32, #tpu.memory_space<vmem>> -> memref<128x128xf32, #tpu.memory_space<vmem>>
    tpu.wait_dma2 semaphore(%arg17 : memref<!tpu.dma_semaphore, #tpu.memory_space<semaphore_mem>>) src(%dma_wait3A_306 : memref<128x128xf32, #tpu.memory_space<vmem>>) dst(%dma_wait3A_302 : memref<128x128xf32, #tpu.memory_space<hbm>>)
    %dma_wait3A_307 = arith.constant 2 : i32
    %dma_wait3A_308 = arith.constant 0 : i32
    %dma_wait3A_309 = arith.constant 0 : i32
    %dma_wait3A_310 = tpu.memref_slice %arg8[%dma_wait3A_307, %dma_wait3A_308, %dma_wait3A_309] : memref<7x128x128xf32, #tpu.memory_space<vmem>> -> memref<1x128x128xf32, #tpu.memory_space<vmem>>
    %dma_wait3A_311 = tpu.memref_squeeze %dma_wait3A_310 : memref<1x128x128xf32, #tpu.memory_space<vmem>> -> memref<128x128xf32, #tpu.memory_space<vmem>>
    %dma_wait3A_312 = arith.constant 0 : i32
    %dma_wait3A_313 = tpu.memref_slice %arg5[%add3A_155, %dma_wait3A_312] : memref<16384x128xf32, #tpu.memory_space<hbm>> -> memref<128x128xf32, #tpu.memory_space<hbm>>
    %dma_wait3A_314 = arith.constant 0 : i32
    %dma_wait3A_315 = tpu.memref_slice %arg5[%add3A_155, %dma_wait3A_314] : memref<16384x128xf32, #tpu.memory_space<hbm>> -> memref<128x128xf32, #tpu.memory_space<hbm>>
    %dma_wait3A_316 = arith.constant 0 : i32
    %dma_wait3A_317 = arith.constant 0 : i32
    %dma_wait3A_318 = tpu.memref_slice %arg8[%dma_wait3A_307, %dma_wait3A_316, %dma_wait3A_317] : memref<7x128x128xf32, #tpu.memory_space<vmem>> -> memref<1x128x128xf32, #tpu.memory_space<vmem>>
    %dma_wait3A_319 = tpu.memref_squeeze %dma_wait3A_318 : memref<1x128x128xf32, #tpu.memory_space<vmem>> -> memref<128x128xf32, #tpu.memory_space<vmem>>
    tpu.wait_dma2 semaphore(%arg18 : memref<!tpu.dma_semaphore, #tpu.memory_space<semaphore_mem>>) src(%dma_wait3A_319 : memref<128x128xf32, #tpu.memory_space<vmem>>) dst(%dma_wait3A_315 : memref<128x128xf32, #tpu.memory_space<hbm>>)
    %dma_wait3A_320 = arith.constant 3 : i32
    %dma_wait3A_321 = arith.constant 0 : i32
    %dma_wait3A_322 = arith.constant 0 : i32
    %dma_wait3A_323 = tpu.memref_slice %arg8[%dma_wait3A_320, %dma_wait3A_321, %dma_wait3A_322] : memref<7x128x128xf32, #tpu.memory_space<vmem>> -> memref<1x128x128xf32, #tpu.memory_space<vmem>>
    %dma_wait3A_324 = tpu.memref_squeeze %dma_wait3A_323 : memref<1x128x128xf32, #tpu.memory_space<vmem>> -> memref<128x128xf32, #tpu.memory_space<vmem>>
    %dma_wait3A_325 = arith.constant 0 : i32
    %dma_wait3A_326 = tpu.memref_slice %arg5[%add3A_180, %dma_wait3A_325] : memref<16384x128xf32, #tpu.memory_space<hbm>> -> memref<128x128xf32, #tpu.memory_space<hbm>>
    %dma_wait3A_327 = arith.constant 0 : i32
    %dma_wait3A_328 = tpu.memref_slice %arg5[%add3A_180, %dma_wait3A_327] : memref<16384x128xf32, #tpu.memory_space<hbm>> -> memref<128x128xf32, #tpu.memory_space<hbm>>
    %dma_wait3A_329 = arith.constant 0 : i32
    %dma_wait3A_330 = arith.constant 0 : i32
    %dma_wait3A_331 = tpu.memref_slice %arg8[%dma_wait3A_320, %dma_wait3A_329, %dma_wait3A_330] : memref<7x128x128xf32, #tpu.memory_space<vmem>> -> memref<1x128x128xf32, #tpu.memory_space<vmem>>
    %dma_wait3A_332 = tpu.memref_squeeze %dma_wait3A_331 : memref<1x128x128xf32, #tpu.memory_space<vmem>> -> memref<128x128xf32, #tpu.memory_space<vmem>>
    tpu.wait_dma2 semaphore(%arg19 : memref<!tpu.dma_semaphore, #tpu.memory_space<semaphore_mem>>) src(%dma_wait3A_332 : memref<128x128xf32, #tpu.memory_space<vmem>>) dst(%dma_wait3A_328 : memref<128x128xf32, #tpu.memory_space<hbm>>)
    %dma_wait3A_333 = arith.constant 4 : i32
    %dma_wait3A_334 = arith.constant 0 : i32
    %dma_wait3A_335 = arith.constant 0 : i32
    %dma_wait3A_336 = tpu.memref_slice %arg8[%dma_wait3A_333, %dma_wait3A_334, %dma_wait3A_335] : memref<7x128x128xf32, #tpu.memory_space<vmem>> -> memref<1x128x128xf32, #tpu.memory_space<vmem>>
    %dma_wait3A_337 = tpu.memref_squeeze %dma_wait3A_336 : memref<1x128x128xf32, #tpu.memory_space<vmem>> -> memref<128x128xf32, #tpu.memory_space<vmem>>
    %dma_wait3A_338 = arith.constant 0 : i32
    %dma_wait3A_339 = tpu.memref_slice %arg6[%add3A_205, %dma_wait3A_338] : memref<16384x128xf32, #tpu.memory_space<hbm>> -> memref<128x128xf32, #tpu.memory_space<hbm>>
    %dma_wait3A_340 = arith.constant 0 : i32
    %dma_wait3A_341 = tpu.memref_slice %arg6[%add3A_205, %dma_wait3A_340] : memref<16384x128xf32, #tpu.memory_space<hbm>> -> memref<128x128xf32, #tpu.memory_space<hbm>>
    %dma_wait3A_342 = arith.constant 0 : i32
    %dma_wait3A_343 = arith.constant 0 : i32
    %dma_wait3A_344 = tpu.memref_slice %arg8[%dma_wait3A_333, %dma_wait3A_342, %dma_wait3A_343] : memref<7x128x128xf32, #tpu.memory_space<vmem>> -> memref<1x128x128xf32, #tpu.memory_space<vmem>>
    %dma_wait3A_345 = tpu.memref_squeeze %dma_wait3A_344 : memref<1x128x128xf32, #tpu.memory_space<vmem>> -> memref<128x128xf32, #tpu.memory_space<vmem>>
    tpu.wait_dma2 semaphore(%arg20 : memref<!tpu.dma_semaphore, #tpu.memory_space<semaphore_mem>>) src(%dma_wait3A_345 : memref<128x128xf32, #tpu.memory_space<vmem>>) dst(%dma_wait3A_341 : memref<128x128xf32, #tpu.memory_space<hbm>>)
    %dma_wait3A_346 = arith.constant 5 : i32
    %dma_wait3A_347 = arith.constant 0 : i32
    %dma_wait3A_348 = arith.constant 0 : i32
    %dma_wait3A_349 = tpu.memref_slice %arg8[%dma_wait3A_346, %dma_wait3A_347, %dma_wait3A_348] : memref<7x128x128xf32, #tpu.memory_space<vmem>> -> memref<1x128x128xf32, #tpu.memory_space<vmem>>
    %dma_wait3A_350 = tpu.memref_squeeze %dma_wait3A_349 : memref<1x128x128xf32, #tpu.memory_space<vmem>> -> memref<128x128xf32, #tpu.memory_space<vmem>>
    %dma_wait3A_351 = arith.constant 0 : i32
    %dma_wait3A_352 = tpu.memref_slice %arg6[%add3A_230, %dma_wait3A_351] : memref<16384x128xf32, #tpu.memory_space<hbm>> -> memref<128x128xf32, #tpu.memory_space<hbm>>
    %dma_wait3A_353 = arith.constant 0 : i32
    %dma_wait3A_354 = tpu.memref_slice %arg6[%add3A_230, %dma_wait3A_353] : memref<16384x128xf32, #tpu.memory_space<hbm>> -> memref<128x128xf32, #tpu.memory_space<hbm>>
    %dma_wait3A_355 = arith.constant 0 : i32
    %dma_wait3A_356 = arith.constant 0 : i32
    %dma_wait3A_357 = tpu.memref_slice %arg8[%dma_wait3A_346, %dma_wait3A_355, %dma_wait3A_356] : memref<7x128x128xf32, #tpu.memory_space<vmem>> -> memref<1x128x128xf32, #tpu.memory_space<vmem>>
    %dma_wait3A_358 = tpu.memref_squeeze %dma_wait3A_357 : memref<1x128x128xf32, #tpu.memory_space<vmem>> -> memref<128x128xf32, #tpu.memory_space<vmem>>
    tpu.wait_dma2 semaphore(%arg21 : memref<!tpu.dma_semaphore, #tpu.memory_space<semaphore_mem>>) src(%dma_wait3A_358 : memref<128x128xf32, #tpu.memory_space<vmem>>) dst(%dma_wait3A_354 : memref<128x128xf32, #tpu.memory_space<hbm>>)
    %dma_wait3A_359 = arith.constant 6 : i32
    %dma_wait3A_360 = arith.constant 0 : i32
    %dma_wait3A_361 = arith.constant 0 : i32
    %dma_wait3A_362 = tpu.memref_slice %arg8[%dma_wait3A_359, %dma_wait3A_360, %dma_wait3A_361] : memref<7x128x128xf32, #tpu.memory_space<vmem>> -> memref<1x128x128xf32, #tpu.memory_space<vmem>>
    %dma_wait3A_363 = tpu.memref_squeeze %dma_wait3A_362 : memref<1x128x128xf32, #tpu.memory_space<vmem>> -> memref<128x128xf32, #tpu.memory_space<vmem>>
    %dma_wait3A_364 = arith.constant 0 : i32
    %dma_wait3A_365 = tpu.memref_slice %arg6[%add3A_255, %dma_wait3A_364] : memref<16384x128xf32, #tpu.memory_space<hbm>> -> memref<128x128xf32, #tpu.memory_space<hbm>>
    %dma_wait3A_366 = arith.constant 0 : i32
    %dma_wait3A_367 = tpu.memref_slice %arg6[%add3A_255, %dma_wait3A_366] : memref<16384x128xf32, #tpu.memory_space<hbm>> -> memref<128x128xf32, #tpu.memory_space<hbm>>
    %dma_wait3A_368 = arith.constant 0 : i32
    %dma_wait3A_369 = arith.constant 0 : i32
    %dma_wait3A_370 = tpu.memref_slice %arg8[%dma_wait3A_359, %dma_wait3A_368, %dma_wait3A_369] : memref<7x128x128xf32, #tpu.memory_space<vmem>> -> memref<1x128x128xf32, #tpu.memory_space<vmem>>
    %dma_wait3A_371 = tpu.memref_squeeze %dma_wait3A_370 : memref<1x128x128xf32, #tpu.memory_space<vmem>> -> memref<128x128xf32, #tpu.memory_space<vmem>>
    tpu.wait_dma2 semaphore(%arg22 : memref<!tpu.dma_semaphore, #tpu.memory_space<semaphore_mem>>) src(%dma_wait3A_371 : memref<128x128xf32, #tpu.memory_space<vmem>>) dst(%dma_wait3A_367 : memref<128x128xf32, #tpu.memory_space<hbm>>)
    %dma_wait3A_372 = arith.constant 0 : i32
    %dma_wait3A_373 = arith.constant 0 : i32
    %dma_wait3A_374 = arith.constant 0 : i32
    %dma_wait3A_375 = tpu.memref_slice %arg8[%dma_wait3A_372, %dma_wait3A_373, %dma_wait3A_374] : memref<7x128x128xf32, #tpu.memory_space<vmem>> -> memref<1x128x128xf32, #tpu.memory_space<vmem>>
    %dma_wait3A_376 = tpu.memref_squeeze %dma_wait3A_375 : memref<1x128x128xf32, #tpu.memory_space<vmem>> -> memref<128x128xf32, #tpu.memory_space<vmem>>
    %dma_wait3A_377 = arith.constant 0 : i32
    %dma_wait3A_378 = tpu.memref_slice %arg6[%add3A_280, %dma_wait3A_377] : memref<16384x128xf32, #tpu.memory_space<hbm>> -> memref<128x128xf32, #tpu.memory_space<hbm>>
    %dma_wait3A_379 = arith.constant 0 : i32
    %dma_wait3A_380 = tpu.memref_slice %arg6[%add3A_280, %dma_wait3A_379] : memref<16384x128xf32, #tpu.memory_space<hbm>> -> memref<128x128xf32, #tpu.memory_space<hbm>>
    %dma_wait3A_381 = arith.constant 0 : i32
    %dma_wait3A_382 = arith.constant 0 : i32
    %dma_wait3A_383 = tpu.memref_slice %arg8[%dma_wait3A_372, %dma_wait3A_381, %dma_wait3A_382] : memref<7x128x128xf32, #tpu.memory_space<vmem>> -> memref<1x128x128xf32, #tpu.memory_space<vmem>>
    %dma_wait3A_384 = tpu.memref_squeeze %dma_wait3A_383 : memref<1x128x128xf32, #tpu.memory_space<vmem>> -> memref<128x128xf32, #tpu.memory_space<vmem>>
    tpu.wait_dma2 semaphore(%arg16 : memref<!tpu.dma_semaphore, #tpu.memory_space<semaphore_mem>>) src(%dma_wait3A_384 : memref<128x128xf32, #tpu.memory_space<vmem>>) dst(%dma_wait3A_380 : memref<128x128xf32, #tpu.memory_space<hbm>>)
    return
  }
}

</mosaic_0001>

<sc_bundles>
// kernel: kernel.3.cloned.1.call-start
scs
__scs_entry_jumppad:
0x0: {  	(pc) =	sbr.rel $0x88, $3  }
0x1: {  	(tag) =	ssettag $0x0;
	lr =	simm.s32 $0x1  }
0x2: {  	[smem:$0x3F9E] =	sst lr;
	_ =	strace $0xD0000000  }
0x3: {  	_ = 	snop  }
0x4: {  	_ = 	snop  }
0x5: {  	_ = 	snop  }
0x6: {  	_ = 	snop  }
0x7: {  	_ = 	snop  }
__scs_overlays_trampoline_lowered:
0x8: {  	[smem:$0x3FAD] =	sst s0  }
0x9: {  	[smem:$0x3FAE] =	sst s1  }
0xa: {  	[smem:$0x3FAF] =	sst s2  }
0xb: {  	[smem:$0x3FB0] =	sst s3  }
0xc: {  	[smem:$0x3FB1] =	sst s4  }
0xd: {  	[smem:$0x3FB2] =	sst s5  }
0xe: {  	[smem:$0x3FB3] =	sst s6  }
0xf: {  	[smem:$0x3FB4] =	sst s7  }
0x10: {  	[smem:$0x3FB5] =	sst s8  }
0x11: {  	[smem:$0x3FB6] =	sst s9;
	s0 =	simm.s32 @!p0 $0x0  }
0x12: {  	s1 =	sld [smem:$0x3F9C];
	s0 =	simm.s32 @p0 $0x1  }
0x13: {  	[smem:$0x3FB7] =	sst s0;
	s0 =	simm.s32 @!p1 $0x0  }
0x14: {  	s2 =	sld [smem:$0x3F9B];
	s0 =	simm.s32 @p1 $0x1  }
0x15: {  	[smem:$0x3FB8] =	sst s0;
	s0 =	simm.s32 @!p2 $0x0  }
0x16: {  	s3 =	sld [smem:$0x3FDB];
	s0 =	simm.s32 @p2 $0x1  }
0x17: {  	s4 =	simm.s32 $0x1BF5;
	[smem:$0x3FBA] =	sst s0  }
0x18: {  	s0 =	sld [smem:$0x3F9D];
	_ =	swait.ge [sflag:s4], $0x0  }
0x19: {  	s7 =	sld [smem:$0x3F9E]  }
0x1a: {  	s8 =	sadd.s32 $0xFFFFE003, lr  }
0x1b: {  	s9 =	sadd.s32 $0xFFFFFEF7, lr;
	s5 =	simm.s32 $0xFFFFFFFF;
	p2 =	slt.u32 s8, $0xFFFFF086  }
0x1c: {  	p1 =	slt.u32 s9, $0xF7A;
	s5 =	simm.s32 @!p2 $0x0  }
0x1d: {  	s5 =	simm.s32 @p1 $0x1;
	p0 =	seq.s32 s7, s2  }
0x1e: {  	s7 =	smul.u32 @!p0 $0xF7A, s2;
	p2 =	seq.s32 @!p0 s5, $0x0  }
0x1f: {  	s9 =	smul.u32 $0xF7A, s1;
	s8 =	simm.s32 @!p0 $0x1BF5;
	p2 =	por !p2, p0  }
0x20: {  	[sflag:s8] =	ssyncset.s32 @!p0 $0xFFFFF086;
	s6 =	sadd.s32 @!p0 s3, s7;
	s7 =	simm.s32 @!p0 $0x108  }
0x21: {  	s3 =	sadd.s32 s3, s9;
	s6 =	sadd.s32 @!p0 $0x88, s6;
	s7 =	simm.s32 @p2 $0x1082  }
0x22: {  	[simem:s7], [sflag:s8] =	dma.local @!p0 [hbm:s6], $0xF7A  }
0x23: {  	s9 =	sor.u32 $0xD0000000, s2;
	s6 =	simm.s32 $0x108;
	_ =	swait.ge @!p0 [sflag:s8], $0x0  }
0x24: {  	s3 =	sadd.s32 $0x88, s3;
	s6 =	simm.s32 @!p1 $0x1082;
	[sflag:s4] =	ssyncset.s32 $0xFFFFF086  }
0x25: {  	[simem:s6], [sflag:s4] =	dma.local [hbm:s3], $0xF7A  }
0x26: {  	[smem:$0x3F9E] =	sst s1;
	(tag) =	ssettag s2;
	_ =	strace s9  }
0x27: {  	s1 =	sld [smem:$0x3FAE]  }
0x28: {  	s2 =	sld [smem:$0x3FAF]  }
0x29: {  	s4 =	sld [smem:$0x3FB1]  }
0x2a: {  	p0 =	seq.s32 s5, $0x0;
	s5 =	sld [smem:$0x3FB2]  }
0x2b: {  	s6 =	sld [smem:$0x3FB3]  }
0x2c: {  	s7 =	sld [smem:$0x3FB4]  }
0x2d: {  	s3 =	simm.s32 $0x108;
	s8 =	sld [smem:$0x3FB5]  }
0x2e: {  	s3 =	simm.s32 @!p0 $0x1082;
	s9 =	sld [smem:$0x3FB6]  }
0x2f: {  	lr =	sadd.s32 s0, s3;
	s0 =	sld [smem:$0x3FAD]  }
0x30: {  	s3 =	sld [smem:$0x3FB0]  }
0x31: {  	[smem:$0x3FB9] =	sst s10  }
0x32: {  	s10 =	sld [smem:$0x3FB7];
	_ =	sdelay $0x3  }
0x33: {  	p0 =	seq.s32 s10, $0x1;
	s10 =	sld [smem:$0x3FB9];
	_ =	sdelay $0x3  }
0x34: {  	[smem:$0x3FB9] =	sst s10  }
0x35: {  	s10 =	sld [smem:$0x3FB8];
	_ =	sdelay $0x3  }
0x36: {  	p1 =	seq.s32 s10, $0x1;
	s10 =	sld [smem:$0x3FB9];
	_ =	sdelay $0x3  }
0x37: {  	[smem:$0x3FB9] =	sst s10  }
0x38: {  	s10 =	sld [smem:$0x3FBA]  }
0x39: {  	_ = 	snop;
	(pc) =	sbr.ind lr, $3  }
0x3a: {  	_ = 	snop  }
0x3b: {  	_ = 	snop  }
0x3c: {  	p2 =	seq.s32 s10, $0x1;
	s10 =	sld [smem:$0x3FB9]  }
0x3d: {  	_ =	shalt  }
0x3e: {  	_ =	shalt  }
0x3f: {  	_ =	shalt  }
0x40: {  	_ =	shalt  }
0x41: {  	_ =	shalt  }
0x42: {  	_ =	shalt  }
0x43: {  	_ =	shalt  }
0x44: {  	_ =	shalt  }
0x45: {  	_ =	shalt  }
0x46: {  	_ =	shalt  }
0x47: {  	_ =	shalt  }
0x48: {  	_ =	shalt  }
0x49: {  	_ =	shalt  }
0x4a: {  	_ =	shalt  }
0x4b: {  	_ =	shalt  }
0x4c: {  	_ =	shalt  }
0x4d: {  	_ =	shalt  }
0x4e: {  	_ =	shalt  }
0x4f: {  	_ =	shalt  }
0x50: {  	_ =	shalt  }
0x51: {  	_ =	shalt  }
0x52: {  	_ =	shalt  }
0x53: {  	_ =	shalt  }
0x54: {  	_ =	shalt  }
0x55: {  	_ =	shalt  }
0x56: {  	_ =	shalt  }
0x57: {  	_ =	shalt  }
0x58: {  	_ =	shalt  }
0x59: {  	_ =	shalt  }
0x5a: {  	_ =	shalt  }
0x5b: {  	_ =	shalt  }
0x5c: {  	_ =	shalt  }
0x5d: {  	_ =	shalt  }
0x5e: {  	_ =	shalt  }
0x5f: {  	_ =	shalt  }
0x60: {  	_ =	shalt  }
0x61: {  	_ =	shalt  }
0x62: {  	_ =	shalt  }
0x63: {  	_ =	shalt  }
0x64: {  	_ =	shalt  }
0x65: {  	_ =	shalt  }
0x66: {  	_ =	shalt  }
0x67: {  	_ =	shalt  }
0x68: {  	_ =	shalt  }
0x69: {  	_ =	shalt  }
0x6a: {  	_ =	shalt  }
0x6b: {  	_ =	shalt  }
0x6c: {  	_ =	shalt  }
0x6d: {  	_ =	shalt  }
0x6e: {  	_ =	shalt  }
0x6f: {  	_ =	shalt  }
0x70: {  	_ =	shalt  }
0x71: {  	_ =	shalt  }
0x72: {  	_ =	shalt  }
0x73: {  	_ =	shalt  }
0x74: {  	_ =	shalt  }
0x75: {  	_ =	shalt  }
0x76: {  	_ =	shalt  }
0x77: {  	_ =	shalt  }
0x78: {  	_ =	shalt  }
0x79: {  	_ =	shalt  }
0x7a: {  	_ =	shalt  }
0x7b: {  	_ =	shalt  }
0x7c: {  	_ =	shalt  }
0x7d: {  	_ =	shalt  }
0x7e: {  	_ =	shalt  }
0x7f: {  	_ =	shalt  }
0x80: {  	_ =	shalt  }
0x81: {  	_ =	shalt  }
0x82: {  	_ =	shalt  }
0x83: {  	_ =	shalt  }
0x84: {  	_ =	shalt  }
0x85: {  	_ =	shalt  }
0x86: {  	_ =	shalt  }
0x87: {  	_ =	shalt  }
.Lfunc_end0:
.L_simem_size_0:
called_computation_lowered:
.L_overlay_start_0:
0x88: {  	s2 =	sld [smem:$0x3FD9]  }
0x89: {  	s3 =	sld [smem:$0x3FFE];
	_ =	sdelay $0x1  }
0x8a: {  	s1 =	srdreg.scid  }
0x8b: {  	s0 =	sand.u32 $0x1, s1  }
0x8c: {  	s14 =	sshll.u32 s0, $0xA;
	s2 =	sadd.s32 s3, s2  }
0x8d: {  	s2 =	sadd.s32 s2, s14  }
0x8e: {  	[smem:$0x3FC5] =	sst s2  }
0x8f: {  	_ = 	snop  }
0x90: {  	s2 =	sld [smem:$0x3FD0];
	_ =	sdelay $0x1  }
0x91: {  	s15 =	sld [smem:$0x3FC8]  }
0x92: {  	s5 =	simm.s32 $0xA;
	s6 =	simm.s32 $0x10;
	s4 =	sld [smem:$0x3FC7]  }
0x93: {  	[smem:s6], [sflag:s5] =	dma.local [hbm:s2], $0x1  }
0x94: {  	_ =	swait.eq [sflag:s5], $0x1  }
0x95: {  	[sflag:s5] =	ssyncset.done $0x0  }
0x96: {  	s16 =	sld [smem:$0x10];
	[sflag:s5] =	ssyncadd.s32 $0xFFFFFFFF  }
0x97: {  	s17 =	sld [smem:$0x11];
	(tm) =	ssettm $0x1  }
0x98: {  	s18 =	sld [smem:$0x3FFB];
	_ =	sdelay $0x3  }
0x99: {  	_ =	strace s18  }
0x9a: {  	s6 =	sld [smem:$0x3FFC];
	_ =	sdelay $0x3  }
0x9b: {  	_ =	strace s6  }
0x9c: {  	s6 =	sld [smem:$0x3FFD];
	_ =	sdelay $0x3  }
0x9d: {  	_ =	strace s6  }
0x9e: {  	_ =	strace $0x8FFFFFFF  }
0x9f: {  	s19 =	sld [smem:$0x3FDB];
	_ =	sdelay $0x1  }
0xa0: {  	s7 =	simm.s32 $_scs_section_size  }
0xa1: {  	s8 =	simm.s32 $_size__tile_overlayer_lowered;
	s9 =	simm.s32 $_tile_overlayer_lowered  }
0xa2: {  	s22 =	simm.s32 $0x1BFF;
	s21 =	sshll.u32 s9, $0x1;
	s6 =	sadd.s32 s7, s19  }
0xa3: {  	s10 =	simm.s32 $0x0;
	s20 =	sshll.u32 s8, $0x1;
	s8 =	sadd.s32 s21, s6  }
0xa4: {  	[timem:s10], [sflag:s22] =	dma.local [hbm:s8], s20  }
0xa5: {  	_ =	swait.ge [sflag:s22], s20  }
0xa6: {  	s7 =	ssub.s32 $0x0, s20;
	[sflag:s22] =	ssyncset.done $0x0  }
0xa7: {  	[sflag:s22] =	ssyncadd.s32 s7;
	_ =	sdelay $0x1  }
0xa8: {  	s23 =	simm.s32 $0x1B8B  }
0xa9: {  	_ =	swait.ge [sflag:s23], $0x1  }
0xaa: {  	[sflag:s23] =	ssyncset.done $0x0  }
0xab: {  	s25 =	simm.s32 $0x1B8E;
	s24 =	sld [smem:$0x3FFE];
	[sflag:s23] =	ssyncadd.s32 $0xFFFFFFFF  }
0xac: {  	s26 =	simm.s32 $execute0_lowered;
	[smem:$0x3FD2] =	sst s25  }
0xad: {  	s8 =	sshll.u32 s26, $0x1;
	_ =	strace $0x80000046;
	[dreg:$0x1] =	wrdreg $0xFFFFFFFF  }
0xae: {  	s28 =	simm.s32 $_size_execute0_lowered;
	s6 =	sadd.s32 s6, s8;
	[dreg:$0x0] =	wrdreg $0x0  }
0xaf: {  	s8 =	sshll.u32 s28, $0x1;
	[dreg:$0x2] =	wrdreg s6  }
0xb0: {  	[dreg:$0x3] =	wrdreg s8  }
0xb1: {  	[dreg:$0x4] =	wrdreg $0xC0  }
0xb2: {  	_ =	task [dreg:s10], $0x5FFFF  }
0xb3: {  	[dreg:$0x1] =	wrdreg $0xFFFFFFFF  }
0xb4: {  	[dreg:$0x0] =	wrdreg $0x60  }
0xb5: {  	[dreg:$0x2] =	wrdreg s15  }
0xb6: {  	[dreg:$0x3] =	wrdreg s4  }
0xb7: {  	[dreg:$0x4] =	wrdreg s24  }
0xb8: {  	[dreg:$0x5] =	wrdreg s16  }
0xb9: {  	[dreg:$0x6] =	wrdreg s17  }
0xba: {  	[dreg:$0x7] =	wrdreg $0x9  }
0xbb: {  	_ =	task.clear_ibuf [dreg:s10], $0x8FFFF;
	_ =	strace $0x90000046  }
0xbc: {  	s29 =	simm.s32 $0x9;
	_ =	strace $0x80000048  }
0xbd: {  	_ =	swait.ge [sflag:s29], $0x1  }
0xbe: {  	[sflag:s29] =	ssyncadd.s32 $0xFFFFFFFF  }
0xbf: {  	_ =	strace $0x90000048  }
0xc0: {  	_ =	sfence  }
0xc1: {  	s30 =	sld [smem:$0x0];
	_ =	sdelay $0x2  }
0xc2: {  	s31 =	sshll.u32 s1, $0xD;
	s1 =	sshrl.u32 s1, $0x2  }
0xc3: {  	s3 =	sand.u32 $0x4000, s31;
	s1 =	sadd.s32 s1, s30  }
0xc4: {  	s0 =	sor.u32 s3, s0;
	s1 =	sshll.u32 s1, $0x11  }
0xc5: {  	s0 =	sor.u32 s1, s0  }
0xc6: {  	s0 =	sadd.s32 $0x8F2B, s0  }
0xc7: {  	[sflag:s0] =	ssyncadd.remote.s32 $0x1  }
0xc8: {  	_ =	sfence.sel $0xFFFF  }
0xc9: {  	[dreg:$0x0] =	wrdreg $0xFFFFFFFF;
	(pc) =	sbr.abs _section_cstart, $3  }
0xca: {  	[dreg:$0x1] =	wrdreg $0xFFFFFFFF  }
0xcb: {  	_ =	task.clear_ibuf [dreg:s10], $0x2FFFF;
	_ =	strace $0x9FFFFFFF  }
0xcc: {  	(tm) =	ssettm $0x7FFFFFFF  }
0xcd: {  	_ =	shalt  }
tec
execute0_lowered:
.L_overlay_start_1:
0x0: {  	(tag) =	ssettag $0x1  }
0x1: {  	s7 =	rddreg [dreg:$0x0]  }
0x2: {  	s3 =	rddreg [dreg:$0x1]  }
0x3: {  	s1 =	rddreg [dreg:$0x2]  }
0x4: {  	s0 =	srdreg.scid;
	s4 =	rddreg [dreg:$0x3]  }
0x5: {  	s2 =	stileid.u32;
	s6 =	rddreg [dreg:$0x4];
	s31 =	simm.s32 $0xF  }
0x6: {  	s29 =	simm.s32 $0x100;
	s17 =	simm.s32 $0x10200;
	s15 =	simm.s32 $0x14200  }
0x7: {  	s12 =	simm.s32 $0x18200;
	s30 =	simm.s32 $0x2;
	s28 =	simm.s32 $0x3  }
0x8: {  	p0 =	por $0x0, $0x0;
	s16 =	simm.s32 $0x9;
	s14 =	simm.s32 $0xA  }
0x9: {  	s13 =	simm.s32 $0xB;
	s11 =	simm.s32 $0xC;
	s0 =	sand.u32 $0x1, s0  }
0xa: {  	s2 =	sshll.u32 s2, $0xA;
	s5 =	sshll.u32 s0, $0x9;
	s0 =	ssub.s32 $0x2, s0  }
0xb: {  	s5 =	sor.u32 s5, s2;
	s2 =	simm.s32 $0x0;
	s25 =	sshrl.u32 s0, $0x1  }
0xc: {  	s8 =	sshrl.u32 s5, $0x3;
	[smem:$0x7FF] =	sst s2;
	s5 =	sshll.u32 s5, $0x4  }
0xd: {  	s0 =	ssub.s32 s0, s25;
	s25 =	simm.s32 $0x4;
	s1 =	sadd.s32 s8, s1  }
0xe: {  	_ =	strace $0x80000047;
	s18 =	sadd.s32 s4, s5;
	s19 =	sor.u32 $0x800, s5  }
0xf: {  	s9 =	sor.u32 $0x1000, s5;
	s10 =	sor.u32 $0x1800, s5;
	s23 =	sadd.s32 s6, s5  }
0x10: {  	s0 =	smax.u32 s0, $0x1;
	s8 =	simm.s32 $0xE;
	s1 =	sadd.s32 $0x800, s1  }
0x11: {  	[dreg:$0x7] =	wrdreg s18;
	s20 =	sadd.s32 s4, s19;
	s21 =	sadd.s32 s4, s9  }
0x12: {  	s22 =	sadd.s32 s4, s10;
	[dreg:$0xb] =	wrdreg s23;
	s24 =	sadd.s32 s6, s19  }
0x13: {  	s26 =	sadd.s32 s6, s9;
	s5 =	sadd.s32 s6, s10;
	[dreg:$0x6] =	wrdreg s1  }
0x14: {  	s6 =	simm.s32 $0x200;
	s19 =	simm.s32 $0xC200;
	[dreg:$0x8] =	wrdreg s20  }
0x15: {  	s9 =	simm.s32 $0x1;
	p1 =	sne.s32 s0, $0x1;
	[dreg:$0x9] =	wrdreg s21  }
.Ltmp0:
0x16: {  	s4 =	simm.s32 $0x8;
	[dreg:$0xa] =	wrdreg s22;
	(pc) =	sbr.rel @!p1 .LBB2_3-.Ltmp0, $4  }
0x17: {  	s23 =	simm.s32 $0x5;
	s18 =	simm.s32 $0x7;
	[dreg:$0xc] =	wrdreg s24  }
0x18: {  	s10 =	simm.s32 $0xD;
	[dreg:$0xd] =	wrdreg s26;
	s22 =	simm.s32 $0x80  }
0x19: {  	s26 =	simm.s32 $0x4200;
	s21 =	simm.s32 $0x8200;
	s24 =	simm.s32 $0x180  }
0x1a: {  	s20 =	simm.s32 $0x6;
	s1 =	sadd.s32 $0xFFFFFFFF, s0;
	s0 =	rddreg [dreg:$0x6]  }
0x1b: {  	[tilespmem:s2], [sflag:$0xF] =	stream.linear.gather [hbm4b:s0+s2], $0x200, $0x38;
	[tilespmem:$0x1C200] =	vst v63  }
0x1c: {  	_ =	swait.ge [sflag:s31], $0x200  }
0x1d: {  	[sflag:s31] =	ssyncset.done $0x0  }
0x1e: {  	[sflag:s31] =	ssyncadd.s32 $0xFFFFFE00  }
0x1f: {  	[tilespmem:s6], [sflag:$0x1] =	stream.indirect.gather [hbm4b:s7+s22], $0x80, s2, s22, $0xb8;
	[tilespmem:$0x1C200] =	vst v63  }
0x20: {  	_ = 	snop  }
0x21: {  	[tilespmem:s26], [sflag:$0x2] =	stream.indirect.gather [hbm4b:s7+s22], $0x80, s22, s22, $0xb8;
	[tilespmem:$0x1C200] =	vst v63  }
0x22: {  	_ = 	snop  }
0x23: {  	[tilespmem:s21], [sflag:$0x3] =	stream.indirect.gather [hbm4b:s7+s22], $0x80, s29, s22, $0xb8;
	[tilespmem:$0x1C200] =	vst v63  }
0x24: {  	_ = 	snop  }
0x25: {  	[tilespmem:s19], [sflag:$0x4] =	stream.indirect.gather [hbm4b:s7+s22], $0x80, s24, s22, $0xb8;
	[tilespmem:$0x1C200] =	vst v63  }
0x26: {  	_ = 	snop  }
0x27: {  	[tilespmem:s17], [sflag:$0x5] =	stream.indirect.gather [hbm4b:s3+s22], $0x80, s2, s22, $0xb8;
	[tilespmem:$0x1C200] =	vst v63  }
0x28: {  	_ = 	snop  }
0x29: {  	[tilespmem:s15], [sflag:$0x6] =	stream.indirect.gather [hbm4b:s3+s22], $0x80, s22, s22, $0xb8;
	[tilespmem:$0x1C200] =	vst v63  }
0x2a: {  	_ =	swait.ge [sflag:s9], $0x4000  }
0x2b: {  	[sflag:s9] =	ssyncset.done $0x0  }
0x2c: {  	s0 =	rddreg [dreg:$0x7];
	[sflag:s9] =	ssyncadd.s32 $0xFFFFC000  }
0x2d: {  	[hbm4b:s0+s2] =	stream.linear.scatter [tilespmem:s6], [sflag:$0x8], $0x4000, $0x38;
	[tilespmem:$0x1C200] =	vst v63  }
0x2e: {  	_ = 	snop  }
0x2f: {  	[tilespmem:s12], [sflag:$0x7] =	stream.indirect.gather [hbm4b:s3+s22], $0x80, s29, s22, $0xb8;
	[tilespmem:$0x1C200] =	vst v63  }
0x30: {  	_ =	swait.ge [sflag:s30], $0x4000  }
0x31: {  	[sflag:s30] =	ssyncset.done $0x0  }
0x32: {  	s0 =	rddreg [dreg:$0x8];
	[sflag:s30] =	ssyncadd.s32 $0xFFFFC000  }
0x33: {  	[hbm4b:s0+s2] =	stream.linear.scatter [tilespmem:s26], [sflag:$0x9], $0x4000, $0x38;
	[tilespmem:$0x1C200] =	vst v63  }
0x34: {  	_ =	swait.ge [sflag:s4], $0x4000  }
0x35: {  	[sflag:s4] =	ssyncset.done $0x0  }
0x36: {  	[sflag:s4] =	ssyncadd.s32 $0xFFFFC000  }
0x37: {  	[tilespmem:s6], [sflag:$0x1] =	stream.indirect.gather [hbm4b:s3+s22], $0x80, s24, s22, $0xb8;
	[tilespmem:$0x1C200] =	vst v63  }
0x38: {  	_ =	swait.ge [sflag:s28], $0x4000  }
0x39: {  	[sflag:s28] =	ssyncset.done $0x0  }
0x3a: {  	s0 =	rddreg [dreg:$0x9];
	[sflag:s28] =	ssyncadd.s32 $0xFFFFC000  }
0x3b: {  	[hbm4b:s0+s2] =	stream.linear.scatter [tilespmem:s21], [sflag:$0xA], $0x4000, $0x38;
	[tilespmem:$0x1C200] =	vst v63  }
0x3c: {  	_ =	swait.ge [sflag:s25], $0x4000  }
0x3d: {  	[sflag:s25] =	ssyncset.done $0x0  }
0x3e: {  	s0 =	rddreg [dreg:$0xa];
	[sflag:s25] =	ssyncadd.s32 $0xFFFFC000  }
0x3f: {  	[hbm4b:s0+s2] =	stream.linear.scatter [tilespmem:s19], [sflag:$0xB], $0x4000, $0x38;
	[tilespmem:$0x1C200] =	vst v63  }
0x40: {  	_ =	swait.ge [sflag:s23], $0x4000  }
0x41: {  	[sflag:s23] =	ssyncset.done $0x0  }
0x42: {  	s0 =	rddreg [dreg:$0xb];
	[sflag:s23] =	ssyncadd.s32 $0xFFFFC000  }
0x43: {  	[hbm4b:s0+s2] =	stream.linear.scatter [tilespmem:s17], [sflag:$0xC], $0x4000, $0x38;
	[tilespmem:$0x1C200] =	vst v63  }
0x44: {  	_ =	swait.ge [sflag:s20], $0x4000  }
0x45: {  	[sflag:s20] =	ssyncset.done $0x0  }
0x46: {  	s0 =	rddreg [dreg:$0xc];
	[sflag:s20] =	ssyncadd.s32 $0xFFFFC000  }
0x47: {  	[hbm4b:s0+s2] =	stream.linear.scatter [tilespmem:s15], [sflag:$0xD], $0x4000, $0x38;
	[tilespmem:$0x1C200] =	vst v63  }
0x48: {  	_ =	swait.ge [sflag:s18], $0x4000  }
0x49: {  	[sflag:s18] =	ssyncset.done $0x0  }
0x4a: {  	s0 =	rddreg [dreg:$0xd];
	[sflag:s18] =	ssyncadd.s32 $0xFFFFC000  }
0x4b: {  	[hbm4b:s0+s2] =	stream.linear.scatter [tilespmem:s12], [sflag:$0xE], $0x4000, $0x38;
	[tilespmem:$0x1C200] =	vst v63  }
0x4c: {  	_ =	swait.ge [sflag:s9], $0x4000  }
0x4d: {  	[sflag:s9] =	ssyncset.done $0x0  }
0x4e: {  	[sflag:s9] =	ssyncadd.s32 $0xFFFFC000  }
0x4f: {  	[hbm4b:s5+s2] =	stream.linear.scatter [tilespmem:s6], [sflag:$0x8], $0x4000, $0x38;
	[tilespmem:$0x1C200] =	vst v63  }
0x50: {  	_ =	swait.ge [sflag:s16], $0x4000  }
0x51: {  	[sflag:s16] =	ssyncset.done $0x0  }
0x52: {  	[sflag:s16] =	ssyncadd.s32 $0xFFFFC000  }
0x53: {  	_ =	swait.ge [sflag:s14], $0x4000  }
0x54: {  	[sflag:s14] =	ssyncset.done $0x0  }
0x55: {  	[sflag:s14] =	ssyncadd.s32 $0xFFFFC000  }
0x56: {  	_ =	swait.ge [sflag:s13], $0x4000  }
0x57: {  	[sflag:s13] =	ssyncset.done $0x0  }
0x58: {  	[sflag:s13] =	ssyncadd.s32 $0xFFFFC000  }
0x59: {  	_ =	swait.ge [sflag:s11], $0x4000  }
0x5a: {  	[sflag:s11] =	ssyncset.done $0x0  }
0x5b: {  	[sflag:s11] =	ssyncadd.s32 $0xFFFFC000  }
0x5c: {  	_ =	swait.ge [sflag:s10], $0x4000  }
0x5d: {  	[sflag:s10] =	ssyncset.done $0x0  }
0x5e: {  	p1 =	sne.s32 s1, $0x1;
	[sflag:s10] =	ssyncadd.s32 $0xFFFFC000  }
.Ltmp1:
0x5f: {  	_ =	swait.ge [sflag:s8], $0x4000;
	(pc) =	sbr.rel @!p1 .LBB2_3-.Ltmp1, $4  }
0x60: {  	[sflag:s8] =	ssyncset.done $0x0  }
0x61: {  	[sflag:s8] =	ssyncadd.s32 $0xFFFFC000  }
0x62: {  	s1 =	sadd.s32 $0xFFFFFFFF, s1;
	_ =	swait.ge [sflag:s4], $0x4000  }
0x63: {  	p0 =	por $0x1, $0x1;
	s0 =	rddreg [dreg:$0x6];
	[sflag:s4] =	ssyncset.done $0x0  }
.LBB2_2:
0x64: {  	[sflag:s4] =	ssyncadd.s32 $0xFFFFC000  }
0x65: {  	[tilespmem:s2], [sflag:$0xF] =	stream.linear.gather [hbm4b:s0+s2], $0x200, $0x38;
	[tilespmem:$0x1C200] =	vst v63  }
0x66: {  	_ =	swait.ge [sflag:s31], $0x200  }
0x67: {  	[sflag:s31] =	ssyncset.done $0x0  }
0x68: {  	[sflag:s31] =	ssyncadd.s32 $0xFFFFFE00  }
0x69: {  	[tilespmem:s6], [sflag:$0x1] =	stream.indirect.gather [hbm4b:s7+s22], $0x80, s2, s22, $0xb8;
	[tilespmem:$0x1C200] =	vst v63  }
0x6a: {  	_ = 	snop  }
0x6b: {  	[tilespmem:s26], [sflag:$0x2] =	stream.indirect.gather [hbm4b:s7+s22], $0x80, s22, s22, $0xb8;
	[tilespmem:$0x1C200] =	vst v63  }
0x6c: {  	_ = 	snop  }
0x6d: {  	[tilespmem:s21], [sflag:$0x3] =	stream.indirect.gather [hbm4b:s7+s22], $0x80, s29, s22, $0xb8;
	[tilespmem:$0x1C200] =	vst v63  }
0x6e: {  	_ = 	snop  }
0x6f: {  	[tilespmem:s19], [sflag:$0x4] =	stream.indirect.gather [hbm4b:s7+s22], $0x80, s24, s22, $0xb8;
	[tilespmem:$0x1C200] =	vst v63  }
0x70: {  	_ = 	snop  }
0x71: {  	[tilespmem:s17], [sflag:$0x5] =	stream.indirect.gather [hbm4b:s3+s22], $0x80, s2, s22, $0xb8;
	[tilespmem:$0x1C200] =	vst v63  }
0x72: {  	_ = 	snop  }
0x73: {  	[tilespmem:s15], [sflag:$0x6] =	stream.indirect.gather [hbm4b:s3+s22], $0x80, s22, s22, $0xb8;
	[tilespmem:$0x1C200] =	vst v63  }
0x74: {  	_ =	swait.ge [sflag:s9], $0x4000  }
0x75: {  	[sflag:s9] =	ssyncset.done $0x0  }
0x76: {  	s0 =	rddreg [dreg:$0x7];
	[sflag:s9] =	ssyncadd.s32 $0xFFFFC000  }
0x77: {  	[hbm4b:s0+s2] =	stream.linear.scatter [tilespmem:s6], [sflag:$0x8], $0x4000, $0x38;
	[tilespmem:$0x1C200] =	vst v63  }
0x78: {  	_ = 	snop  }
0x79: {  	[tilespmem:s12], [sflag:$0x7] =	stream.indirect.gather [hbm4b:s3+s22], $0x80, s29, s22, $0xb8;
	[tilespmem:$0x1C200] =	vst v63  }
0x7a: {  	_ =	swait.ge [sflag:s30], $0x4000  }
0x7b: {  	[sflag:s30] =	ssyncset.done $0x0  }
0x7c: {  	s0 =	rddreg [dreg:$0x8];
	[sflag:s30] =	ssyncadd.s32 $0xFFFFC000  }
0x7d: {  	[hbm4b:s0+s2] =	stream.linear.scatter [tilespmem:s26], [sflag:$0x9], $0x4000, $0x38;
	[tilespmem:$0x1C200] =	vst v63  }
0x7e: {  	_ =	swait.ge [sflag:s4], $0x4000  }
0x7f: {  	[sflag:s4] =	ssyncset.done $0x0  }
0x80: {  	[sflag:s4] =	ssyncadd.s32 $0xFFFFC000  }
0x81: {  	[tilespmem:s6], [sflag:$0x1] =	stream.indirect.gather [hbm4b:s3+s22], $0x80, s24, s22, $0xb8;
	[tilespmem:$0x1C200] =	vst v63  }
0x82: {  	_ =	swait.ge [sflag:s28], $0x4000  }
0x83: {  	[sflag:s28] =	ssyncset.done $0x0  }
0x84: {  	s0 =	rddreg [dreg:$0x9];
	[sflag:s28] =	ssyncadd.s32 $0xFFFFC000  }
0x85: {  	[hbm4b:s0+s2] =	stream.linear.scatter [tilespmem:s21], [sflag:$0xA], $0x4000, $0x38;
	[tilespmem:$0x1C200] =	vst v63  }
0x86: {  	_ =	swait.ge [sflag:s25], $0x4000  }
0x87: {  	[sflag:s25] =	ssyncset.done $0x0  }
0x88: {  	s0 =	rddreg [dreg:$0xa];
	[sflag:s25] =	ssyncadd.s32 $0xFFFFC000  }
0x89: {  	[hbm4b:s0+s2] =	stream.linear.scatter [tilespmem:s19], [sflag:$0xB], $0x4000, $0x38;
	[tilespmem:$0x1C200] =	vst v63  }
0x8a: {  	_ =	swait.ge [sflag:s23], $0x4000  }
0x8b: {  	[sflag:s23] =	ssyncset.done $0x0  }
0x8c: {  	s0 =	rddreg [dreg:$0xb];
	[sflag:s23] =	ssyncadd.s32 $0xFFFFC000  }
0x8d: {  	[hbm4b:s0+s2] =	stream.linear.scatter [tilespmem:s17], [sflag:$0xC], $0x4000, $0x38;
	[tilespmem:$0x1C200] =	vst v63  }
0x8e: {  	_ =	swait.ge [sflag:s20], $0x4000  }
0x8f: {  	[sflag:s20] =	ssyncset.done $0x0  }
0x90: {  	s0 =	rddreg [dreg:$0xc];
	[sflag:s20] =	ssyncadd.s32 $0xFFFFC000  }
0x91: {  	[hbm4b:s0+s2] =	stream.linear.scatter [tilespmem:s15], [sflag:$0xD], $0x4000, $0x38;
	[tilespmem:$0x1C200] =	vst v63  }
0x92: {  	_ =	swait.ge [sflag:s18], $0x4000  }
0x93: {  	[sflag:s18] =	ssyncset.done $0x0  }
0x94: {  	s0 =	rddreg [dreg:$0xd];
	[sflag:s18] =	ssyncadd.s32 $0xFFFFC000  }
0x95: {  	[hbm4b:s0+s2] =	stream.linear.scatter [tilespmem:s12], [sflag:$0xE], $0x4000, $0x38;
	[tilespmem:$0x1C200] =	vst v63  }
0x96: {  	_ =	swait.ge [sflag:s9], $0x4000  }
0x97: {  	[sflag:s9] =	ssyncset.done $0x0  }
0x98: {  	[sflag:s9] =	ssyncadd.s32 $0xFFFFC000  }
0x99: {  	[hbm4b:s5+s2] =	stream.linear.scatter [tilespmem:s6], [sflag:$0x8], $0x4000, $0x38;
	[tilespmem:$0x1C200] =	vst v63  }
0x9a: {  	_ =	swait.ge [sflag:s16], $0x4000  }
0x9b: {  	[sflag:s16] =	ssyncset.done $0x0  }
0x9c: {  	[sflag:s16] =	ssyncadd.s32 $0xFFFFC000  }
0x9d: {  	_ =	swait.ge [sflag:s14], $0x4000  }
0x9e: {  	[sflag:s14] =	ssyncset.done $0x0  }
0x9f: {  	[sflag:s14] =	ssyncadd.s32 $0xFFFFC000  }
0xa0: {  	_ =	swait.ge [sflag:s13], $0x4000  }
0xa1: {  	[sflag:s13] =	ssyncset.done $0x0  }
0xa2: {  	[sflag:s13] =	ssyncadd.s32 $0xFFFFC000  }
0xa3: {  	_ =	swait.ge [sflag:s11], $0x4000  }
0xa4: {  	[sflag:s11] =	ssyncset.done $0x0  }
0xa5: {  	[sflag:s11] =	ssyncadd.s32 $0xFFFFC000  }
0xa6: {  	_ =	swait.ge [sflag:s10], $0x4000  }
0xa7: {  	[sflag:s10] =	ssyncset.done $0x0  }
0xa8: {  	p1 =	sne.s32 s1, $0x1;
	[sflag:s10] =	ssyncadd.s32 $0xFFFFC000  }
.Ltmp2:
0xa9: {  	_ =	swait.ge [sflag:s8], $0x4000;
	(pc) =	sbr.rel @p1 .LBB2_2-.Ltmp2, $4  }
0xaa: {  	[sflag:s8] =	ssyncset.done $0x0  }
0xab: {  	[sflag:s8] =	ssyncadd.s32 $0xFFFFC000  }
0xac: {  	_ =	swait.ge [sflag:s4], $0x4000  }
0xad: {  	s1 =	sadd.s32 $0xFFFFFFFF, s1;
	s0 =	rddreg [dreg:$0x6];
	[sflag:s4] =	ssyncset.done $0x0  }
.LBB2_3:
0xae: {  	[sflag:s4] =	ssyncadd.s32 @p0 $0xFFFFC000  }
0xaf: {  	[tilespmem:s2], [sflag:$0xF] =	stream.linear.gather [hbm4b:s0+s2], $0x200, $0x38;
	[tilespmem:$0x1C200] =	vst v63  }
0xb0: {  	_ =	swait.ge [sflag:s31], $0x200  }
0xb1: {  	[sflag:s31] =	ssyncset.done $0x0  }
0xb2: {  	[sflag:s31] =	ssyncadd.s32 $0xFFFFFE00  }
0xb3: {  	[tilespmem:s6], [sflag:$0x1] =	stream.indirect.gather [hbm4b:s7+s22], $0x80, s2, s22, $0xb8;
	[tilespmem:$0x1C200] =	vst v63  }
0xb4: {  	_ = 	snop  }
0xb5: {  	[tilespmem:s26], [sflag:$0x2] =	stream.indirect.gather [hbm4b:s7+s22], $0x80, s22, s22, $0xb8;
	[tilespmem:$0x1C200] =	vst v63  }
0xb6: {  	_ = 	snop  }
0xb7: {  	[tilespmem:s21], [sflag:$0x3] =	stream.indirect.gather [hbm4b:s7+s22], $0x80, s29, s22, $0xb8;
	[tilespmem:$0x1C200] =	vst v63  }
0xb8: {  	_ = 	snop  }
0xb9: {  	[tilespmem:s19], [sflag:$0x4] =	stream.indirect.gather [hbm4b:s7+s22], $0x80, s24, s22, $0xb8;
	[tilespmem:$0x1C200] =	vst v63  }
0xba: {  	_ = 	snop  }
0xbb: {  	[tilespmem:s17], [sflag:$0x5] =	stream.indirect.gather [hbm4b:s3+s22], $0x80, s2, s22, $0xb8;
	[tilespmem:$0x1C200] =	vst v63  }
0xbc: {  	_ = 	snop  }
0xbd: {  	[tilespmem:s15], [sflag:$0x6] =	stream.indirect.gather [hbm4b:s3+s22], $0x80, s22, s22, $0xb8;
	[tilespmem:$0x1C200] =	vst v63  }
0xbe: {  	_ =	swait.ge [sflag:s9], $0x4000  }
0xbf: {  	[sflag:s9] =	ssyncset.done $0x0  }
0xc0: {  	s1 =	rddreg [dreg:$0x7];
	[sflag:s9] =	ssyncadd.s32 $0xFFFFC000  }
0xc1: {  	[hbm4b:s1+s2] =	stream.linear.scatter [tilespmem:s6], [sflag:$0x8], $0x4000, $0x38;
	[tilespmem:$0x1C200] =	vst v63  }
0xc2: {  	_ = 	snop  }
0xc3: {  	[tilespmem:s12], [sflag:$0x7] =	stream.indirect.gather [hbm4b:s3+s22], $0x80, s29, s22, $0xb8;
	[tilespmem:$0x1C200] =	vst v63  }
0xc4: {  	_ =	swait.ge [sflag:s30], $0x4000  }
0xc5: {  	[sflag:s30] =	ssyncset.done $0x0  }
0xc6: {  	s7 =	rddreg [dreg:$0x8];
	[sflag:s30] =	ssyncadd.s32 $0xFFFFC000  }
0xc7: {  	[hbm4b:s7+s2] =	stream.linear.scatter [tilespmem:s26], [sflag:$0x9], $0x4000, $0x38;
	[tilespmem:$0x1C200] =	vst v63  }
0xc8: {  	_ =	swait.ge [sflag:s4], $0x4000  }
0xc9: {  	[sflag:s4] =	ssyncset.done $0x0  }
0xca: {  	[sflag:s4] =	ssyncadd.s32 $0xFFFFC000  }
0xcb: {  	[tilespmem:s6], [sflag:$0x1] =	stream.indirect.gather [hbm4b:s3+s22], $0x80, s24, s22, $0xb8;
	[tilespmem:$0x1C200] =	vst v63  }
0xcc: {  	_ =	swait.ge [sflag:s28], $0x4000  }
0xcd: {  	[sflag:s28] =	ssyncset.done $0x0  }
0xce: {  	s24 =	rddreg [dreg:$0x9];
	[sflag:s28] =	ssyncadd.s32 $0xFFFFC000  }
0xcf: {  	[hbm4b:s24+s2] =	stream.linear.scatter [tilespmem:s21], [sflag:$0xA], $0x4000, $0x38;
	[tilespmem:$0x1C200] =	vst v63  }
0xd0: {  	_ =	swait.ge [sflag:s25], $0x4000  }
0xd1: {  	[sflag:s25] =	ssyncset.done $0x0  }
0xd2: {  	s26 =	rddreg [dreg:$0xa];
	[sflag:s25] =	ssyncadd.s32 $0xFFFFC000  }
0xd3: {  	[hbm4b:s26+s2] =	stream.linear.scatter [tilespmem:s19], [sflag:$0xB], $0x4000, $0x38;
	[tilespmem:$0x1C200] =	vst v63  }
0xd4: {  	_ =	swait.ge [sflag:s23], $0x4000  }
0xd5: {  	[sflag:s23] =	ssyncset.done $0x0  }
0xd6: {  	s28 =	rddreg [dreg:$0xb];
	[sflag:s23] =	ssyncadd.s32 $0xFFFFC000  }
0xd7: {  	[hbm4b:s28+s2] =	stream.linear.scatter [tilespmem:s17], [sflag:$0xC], $0x4000, $0x38;
	[tilespmem:$0x1C200] =	vst v63  }
0xd8: {  	_ =	swait.ge [sflag:s20], $0x4000  }
0xd9: {  	[sflag:s20] =	ssyncset.done $0x0  }
0xda: {  	s29 =	rddreg [dreg:$0xc];
	[sflag:s20] =	ssyncadd.s32 $0xFFFFC000  }
0xdb: {  	[hbm4b:s29+s2] =	stream.linear.scatter [tilespmem:s15], [sflag:$0xD], $0x4000, $0x38;
	[tilespmem:$0x1C200] =	vst v63  }
0xdc: {  	_ =	swait.ge [sflag:s18], $0x4000  }
0xdd: {  	[sflag:s18] =	ssyncset.done $0x0  }
0xde: {  	s30 =	rddreg [dreg:$0xd];
	[sflag:s18] =	ssyncadd.s32 $0xFFFFC000  }
0xdf: {  	[hbm4b:s30+s2] =	stream.linear.scatter [tilespmem:s12], [sflag:$0xE], $0x4000, $0x38;
	[tilespmem:$0x1C200] =	vst v63  }
0xe0: {  	_ =	swait.ge [sflag:s9], $0x4000  }
0xe1: {  	[sflag:s9] =	ssyncset.done $0x0  }
0xe2: {  	[sflag:s9] =	ssyncadd.s32 $0xFFFFC000  }
0xe3: {  	[hbm4b:s5+s2] =	stream.linear.scatter [tilespmem:s6], [sflag:$0x8], $0x4000, $0x38;
	[tilespmem:$0x1C200] =	vst v63  }
0xe4: {  	_ =	swait.ge [sflag:s16], $0x4000  }
0xe5: {  	[sflag:s16] =	ssyncset.done $0x0  }
0xe6: {  	[sflag:s16] =	ssyncadd.s32 $0xFFFFC000  }
0xe7: {  	_ =	swait.ge [sflag:s14], $0x4000  }
0xe8: {  	[sflag:s14] =	ssyncset.done $0x0  }
0xe9: {  	[sflag:s14] =	ssyncadd.s32 $0xFFFFC000  }
0xea: {  	_ =	swait.ge [sflag:s13], $0x4000  }
0xeb: {  	[sflag:s13] =	ssyncset.done $0x0  }
0xec: {  	[sflag:s13] =	ssyncadd.s32 $0xFFFFC000  }
0xed: {  	_ =	swait.ge [sflag:s11], $0x4000  }
0xee: {  	[sflag:s11] =	ssyncset.done $0x0  }
0xef: {  	[sflag:s11] =	ssyncadd.s32 $0xFFFFC000  }
0xf0: {  	_ =	swait.ge [sflag:s10], $0x4000  }
0xf1: {  	[sflag:s10] =	ssyncset.done $0x0  }
0xf2: {  	[sflag:s10] =	ssyncadd.s32 $0xFFFFC000  }
0xf3: {  	_ =	swait.ge [sflag:s8], $0x4000  }
0xf4: {  	[sflag:s8] =	ssyncset.done $0x0  }
0xf5: {  	[sflag:s8] =	ssyncadd.s32 $0xFFFFC000  }
0xf6: {  	_ =	swait.ge [sflag:s4], $0x4000  }
0xf7: {  	[sflag:s4] =	ssyncset.done $0x0  }
0xf8: {  	[sflag:s4] =	ssyncadd.s32 $0xFFFFC000  }
0xf9: {  	_ =	sfence.sel $0x180000  }
0xfa: {  	[bflag:$0x0] =	sbarrier.arrive $0xFFFF  }
0xfb: {  	_ =	strace $0x90000047  }
0xfc: {  	s31 =	stileid.u32;
	[bflag:$0x2] =	sbarrier.arrive $0xFFFF  }
0xfd: {  	p0 =	sne.s32 s31, $0x0;
	s0 =	rddreg [dreg:$0x5]  }
0xfe: {  	s0 =	sadd.s32 @!p0 $0x100000, s0  }
0xff: {  	[sflag:s0] =	ssyncadd.tile.s32 @!p0 $0x1;
	_ =	shalt  }
.Lfunc_end2:
_tile_overlayer_lowered:
.L_overlay_start_2:
0x100: {  	(tag) =	ssettag $0x2  }
0x101: {  	s0 =	rddreg [dreg:$0x0];
	s2 =	stileid.u32  }
0x102: {  	s1 =	rddreg [dreg:$0x1];
	p0 =	sne.s32 s2, $0x0  }
0x103: {  	s3 =	rddreg [dreg:$0x2];
	[bflag:$0x3] =	sbarrier.arrive $0xFFFF;
	s2 =	simm.s32 @!p0 $0x1C0F  }
0x104: {  	[timem:s3], [sflag:s2] =	dma.local @!p0 [hbm:s0], s1  }
0x105: {  	s0 =	simm.s32 @!p0 $0xF  }
0x106: {  	_ =	swait.ge @!p0 [sflag:s0], s1  }
0x107: {  	s1 =	ssub.s32 @!p0 $0x0, s1;
	[sflag:s0] =	ssyncset.done @!p0 $0x0  }
0x108: {  	[sflag:s0] =	ssyncadd.s32 @!p0 s1  }
0x109: {  	[bflag:$0x3] =	sbarrier.arrive $0xFFFF  }
0x10a: {  	_ =	shalt  }

</sc_bundles>
